<compile_context>
chip_gen: v7x
topology: tpu7x:2x2x1
jax: 0.10.2.dev20260603
libtpu: 0.0.44.dev20260713+nightly
codegen_flags: <defaults>
</compile_context>

<pallas_src>
import functools

import jax
import jax.numpy as jnp
from jax import lax
from jax.experimental import pallas as pl
from jax.experimental.pallas import tpu as pltpu
from jax.experimental.pallas import tpu_sc as plsc

_ROWS = 2


def _make_sc_sl1(B, P):
    p4 = 4 * P
    ppad = P + (-P) % 8
    mesh = plsc.VectorSubcoreMesh(core_axis_name="c", subcore_axis_name="s",
                                  num_cores=1)

    @functools.partial(
        pl.kernel, mesh=mesh,
        out_type=jax.ShapeDtypeStruct((B, 16), jnp.float32),
        scratch_types=[
            pltpu.VMEM((p4,), jnp.float32),
            pltpu.VMEM((p4,), jnp.float32),
            pltpu.VMEM((ppad,), jnp.int32),
            pltpu.VMEM((16,), jnp.float32),
        ],
    )
    def sc_sl1(pred_hbm, gt_hbm, lab_hbm, out_hbm, pred_v, gt_v, lab_v,
               acc_v):
        sid = lax.axis_index("s")
        rep4 = lax.iota(jnp.int32, 16) >> 2

        def chunk(lab_win, base, j, acc):
            p = pred_v[pl.ds(base, 16)]
            g = gt_v[pl.ds(base, 16)]
            lb = lax.gather(
                lab_win, (rep4 + 4 * j)[:, None],
                lax.GatherDimensionNumbers(offset_dims=(),
                                           collapsed_slice_dims=(0,),
                                           start_index_map=(0,)),
                slice_sizes=(1,),
                mode=lax.GatherScatterMode.PROMISE_IN_BOUNDS)
            d = p - g
            a = jnp.abs(d)
            t = jnp.where(a < 1.0, 0.5 * d * d, a - 0.5)
            return acc + jnp.where(lb > 0, t, 0.0)

        nwin = p4 // 64
        ntail = (p4 % 64) // 16

        def body(w, acc):
            lab_win = lab_v[pl.ds(w * 16, 16)]
            for j in range(4):
                acc = chunk(lab_win, w * 64 + j * 16, j, acc)
            return acc

        for rr in range(B // 16):
            wid = sid + rr * 16
            pltpu.sync_copy(pred_hbm.at[wid], pred_v)
            pltpu.sync_copy(gt_hbm.at[wid], gt_v)
            pltpu.sync_copy(lab_hbm.at[wid], lab_v)
            acc = lax.fori_loop(0, nwin, body,
                                jnp.zeros((16,), jnp.float32))
            lab_win = lab_v[pl.ds(nwin * 16, 16)]
            for j in range(ntail):
                acc = chunk(lab_win, nwin * 64 + j * 16, j, acc)
            acc_v[...] = acc
            pltpu.sync_copy(acc_v, out_hbm.at[wid])

    return sc_sl1


def _pass_a_body(conf_ref, lab_ref, mining_ref, ce_ref):
    for r in range(_ROWS):
        conft = jnp.transpose(conf_ref[r])
        C, P = conft.shape
        lab = lab_ref[r]
        s = jnp.sum(jnp.exp(conft), axis=0, keepdims=True)
        lse = jnp.log(s)
        cls_iota = jax.lax.broadcasted_iota(jnp.int32, (C, P), 0)
        conf_lab = jnp.sum(jnp.where(cls_iota == lab, conft, 0.0),
                           axis=0, keepdims=True)
        mining_ref[r] = lse - conft[0:1, :]
        ce_ref[r] = lse - conf_lab


def _pass_b_body(mining_ref, ce_ref, lab_ref, sl1rows_ref,
                 sl1_ref, cls_ref):
    mining = mining_ref[...]
    ce = ce_ref[...]
    lab = lab_ref[...]
    B, P = mining.shape

    min32 = jnp.int32(-2147483648)
    pos = lab > 0
    neg = jnp.logical_not(pos)
    npos_row = jnp.sum(pos.astype(jnp.int32), axis=1, keepdims=True)
    nneg_row = P - npos_row
    k = jnp.minimum(npos_row * 3, nneg_row)

    bits = jax.lax.bitcast_convert_type(mining, jnp.int32)
    key = bits ^ ((bits >> 31) & jnp.int32(0x7FFFFFFF))

    def vstep(i, tu):
        cand = tu | jnp.left_shift(jnp.int32(1), 31 - i)
        cand_s = cand ^ min32
        cnt = jnp.sum((neg & (key >= cand_s)).astype(jnp.int32),
                      axis=1, keepdims=True)
        return jnp.where(cnt >= k, cand, tu)

    tu = jax.lax.fori_loop(0, 32, vstep, jnp.zeros((B, 1), jnp.int32))
    thr = tu ^ min32

    sel_gt = neg & (key > thr)
    cnt_gt = jnp.sum(sel_gt.astype(jnp.int32), axis=1, keepdims=True)
    tie = neg & (key == thr)
    cnt_eq = jnp.sum(tie.astype(jnp.int32), axis=1, keepdims=True)
    m_need = jnp.clip(k - cnt_gt, 0, cnt_eq)

    idx = jax.lax.broadcasted_iota(jnp.int32, (B, P), 1)

    def istep(i, j):
        cand = j | jnp.left_shift(jnp.int32(1), 13 - i)
        cnt = jnp.sum((tie & (idx < cand)).astype(jnp.int32),
                      axis=1, keepdims=True)
        return jnp.where(cnt < m_need, cand, j)

    j = jax.lax.fori_loop(0, 14, istep, jnp.zeros((B, 1), jnp.int32))
    istar = jnp.where(m_need > 0, j + 1, 0)
    mask = pos | sel_gt | (tie & (idx < istar))

    cls_sum = jnp.sum(jnp.where(mask, ce, 0.0), axis=(0, 1), keepdims=True)
    npos_total = jnp.sum(npos_row, axis=(0, 1),
                         keepdims=True).astype(jnp.float32)

    sl1_sum = jnp.sum(sl1rows_ref[...], axis=(0, 1), keepdims=True)

    sl1_ref[...] = sl1_sum / npos_total
    cls_ref[...] = cls_sum / npos_total


@functools.partial(jax.jit, static_argnums=())
def kernel(confidence, predicted_locations, labels, gt_locations):
    B, P, C = confidence.shape
    lab3 = labels.reshape(B, 1, P)

    lab_pad = jnp.pad(labels, ((0, 0), (0, (-P) % 8)))
    sl1rows = _make_sc_sl1(B, P)(
        predicted_locations.reshape(B, P * 4),
        gt_locations.reshape(B, P * 4), lab_pad)

    mining, ce = pl.pallas_call(
        _pass_a_body,
        grid=(B // _ROWS,),
        in_specs=[
            pl.BlockSpec((_ROWS, P, C), lambda b: (b, 0, 0)),
            pl.BlockSpec((_ROWS, 1, P), lambda b: (b, 0, 0)),
        ],
        out_specs=[
            pl.BlockSpec((_ROWS, 1, P), lambda b: (b, 0, 0)),
            pl.BlockSpec((_ROWS, 1, P), lambda b: (b, 0, 0)),
        ],
        out_shape=[
            jax.ShapeDtypeStruct((B, 1, P), jnp.float32),
            jax.ShapeDtypeStruct((B, 1, P), jnp.float32),
        ],
    )(confidence, lab3)

    sl1, cls = pl.pallas_call(
        _pass_b_body,
        out_shape=[
            jax.ShapeDtypeStruct((1, 1), jnp.float32),
            jax.ShapeDtypeStruct((1, 1), jnp.float32),
        ],
    )(mining.reshape(B, P), ce.reshape(B, P), labels, sl1rows)

    return (sl1[0, 0], cls[0, 0])

# --- scband reference (transcript-rebuilt; emitter-appended) ---
"""Pipeline reference for scband-multi-box-loss-481036337308 (READ-ONLY COPY).

The authoritative reference and input builder live on the scoring server;
editing this copy changes nothing except your own understanding.
"""

import jax, jax.numpy as jnp
import numpy as np

NEG_POS_RATIO = 3

def hard_negative_mining(loss, labels, neg_pos_ratio):
    # Standard SSD box_utils.hard_negative_mining
    pos_mask = labels > 0
    num_pos = pos_mask.sum(axis=1, keepdims=True)
    num_neg = num_pos * neg_pos_ratio
    loss = jnp.where(pos_mask, -jnp.inf, loss)
    indexes = jnp.argsort(-loss, axis=1)          # sort descending
    orders = jnp.argsort(indexes, axis=1)         # rank of each prior
    neg_mask = orders < num_neg
    return pos_mask | neg_mask


def setup_inputs(seed: int = 0) -> dict:
    key = jax.random.key(seed)
    k1, k2, k3, k4 = jax.random.split(key, 4)
    B, P, C = 32, 8732, 81
    confidence = jax.random.normal(k1, (B, P, C), dtype=jnp.float32)
    predicted_locations = jax.random.normal(k2, (B, P, 4), dtype=jnp.float32)
    labels = jax.random.randint(k3, (B, P), 0, C, dtype=jnp.int32)
    gt_locations = jax.random.normal(k4, (B, P, 4), dtype=jnp.float32)
    return {"confidence": confidence, "predicted_locations": predicted_locations,
            "labels": labels, "gt_locations": gt_locations}


def reference(confidence, predicted_locations, labels, gt_locations):
    num_classes = confidence.shape[2]
    # with torch.no_grad(): mining loss = -log_softmax(conf)[:, :, 0]
    mining_loss = jax.lax.stop_gradient(-jax.nn.log_softmax(confidence, axis=2)[:, :, 0])
    mask = hard_negative_mining(mining_loss, labels, NEG_POS_RATIO)
    # classification: cross_entropy(confidence[mask], labels[mask], reduction='sum')
    logp = jax.nn.log_softmax(confidence, axis=2)
    ce = -jnp.take_along_axis(logp, labels[..., None].astype(jnp.int32), axis=2)[..., 0]
    classification_loss = jnp.sum(jnp.where(mask, ce, 0.0))
    # smooth l1 on positives, reduction='sum' (beta=1.0)
    pos_mask = labels > 0
    diff = predicted_locations - gt_locations
    abs_d = jnp.abs(diff)
    sl1 = jnp.where(abs_d < 1.0, 0.5 * diff * diff, abs_d - 0.5)
    smooth_l1_loss = jnp.sum(jnp.where(pos_mask[..., None], sl1, 0.0))
    num_pos = pos_mask.sum()
    return (smooth_l1_loss / num_pos, classification_loss / num_pos)

if __name__ == "__main__":
    import jax
    _d = setup_inputs()
    print(jax.jit(kernel)(*tuple(_d.values())))

</pallas_src>

<mosaic_0001>
#map = affine_map<(d0, d1) -> (0, 0)>
module attributes {stable_mosaic.version = 14 : i64} {
  func.func @sc_sl1(%arg0: i32, %arg1: i32, %arg2: memref<32x34928xf32, #tpu.memory_space<hbm>>, %arg3: memref<32x34928xf32, #tpu.memory_space<hbm>>, %arg4: memref<32x8736xi32, #tpu.memory_space<hbm>>, %arg5: memref<32x16xf32, #tpu.memory_space<hbm>>, %arg6: memref<34928xf32, #tpu.memory_space<vmem>>, %arg7: memref<34928xf32, #tpu.memory_space<vmem>>, %arg8: memref<8736xi32, #tpu.memory_space<vmem>>, %arg9: memref<16xf32, #tpu.memory_space<vmem>>) attributes {dimension_semantics = [#tpu.dimension_semantics<core_parallel>, #tpu.dimension_semantics<subcore_parallel>], iteration_bounds = array<i64: 1, 16>, scalar_prefetch = 0 : i64, scratch_operands = 4 : i64, tpu.core_type = #tpu.core_type<sc_vector_subcore>, window_params = [{transform_indices = #map}, {transform_indices = #map}, {transform_indices = #map}, {transform_indices = #map}]} {
    %iota3A = tpu.iota {dimensions = array<i32: 0>} : vector<16xi32>
    %shift_right_arithmetic3A = arith.constant 2 : i32
    %shift_right_arithmetic3A_0 = vector.broadcast %shift_right_arithmetic3A : i32 to vector<16xi32>
    %shift_right_arithmetic3A_1 = arith.shrsi %iota3A, %shift_right_arithmetic3A_0 : vector<16xi32>
    %add3A = arith.constant 0 : i32
    %add3A_2 = arith.addi %arg1, %add3A : i32
    "tpu.region"() ({
      %run_scoped3A = tpu.sem_alloc : memref<!tpu.dma_semaphore, #tpu.memory_space<semaphore_mem>>
      %dma_start3A = arith.constant 0 : i32
      %dma_start3A_215 = tpu.memref_slice %arg2[%add3A_2, %dma_start3A] : memref<32x34928xf32, #tpu.memory_space<hbm>> -> memref<1x34928xf32, #tpu.memory_space<hbm>>
      %dma_start3A_216 = tpu.memref_squeeze %dma_start3A_215 : memref<1x34928xf32, #tpu.memory_space<hbm>> -> memref<34928xf32, #tpu.memory_space<hbm>>
      %dma_start3A_217 = arith.constant 0 : i32
      %dma_start3A_218 = tpu.memref_slice %arg2[%add3A_2, %dma_start3A_217] : memref<32x34928xf32, #tpu.memory_space<hbm>> -> memref<1x34928xf32, #tpu.memory_space<hbm>>
      %dma_start3A_219 = tpu.memref_squeeze %dma_start3A_218 : memref<1x34928xf32, #tpu.memory_space<hbm>> -> memref<34928xf32, #tpu.memory_space<hbm>>
      tpu.enqueue_dma source(%dma_start3A_219 : memref<34928xf32, #tpu.memory_space<hbm>>) target(%arg6 : memref<34928xf32, #tpu.memory_space<vmem>>) target_semaphore(%run_scoped3A : memref<!tpu.dma_semaphore, #tpu.memory_space<semaphore_mem>>)
      %dma_wait3A = arith.constant 0 : i32
      %dma_wait3A_220 = tpu.memref_slice %arg2[%add3A_2, %dma_wait3A] : memref<32x34928xf32, #tpu.memory_space<hbm>> -> memref<1x34928xf32, #tpu.memory_space<hbm>>
      %dma_wait3A_221 = tpu.memref_squeeze %dma_wait3A_220 : memref<1x34928xf32, #tpu.memory_space<hbm>> -> memref<34928xf32, #tpu.memory_space<hbm>>
      %dma_wait3A_222 = arith.constant 0 : i32
      %dma_wait3A_223 = tpu.memref_slice %arg2[%add3A_2, %dma_wait3A_222] : memref<32x34928xf32, #tpu.memory_space<hbm>> -> memref<1x34928xf32, #tpu.memory_space<hbm>>
      %dma_wait3A_224 = tpu.memref_squeeze %dma_wait3A_223 : memref<1x34928xf32, #tpu.memory_space<hbm>> -> memref<34928xf32, #tpu.memory_space<hbm>>
      tpu.wait_dma2 semaphore(%run_scoped3A : memref<!tpu.dma_semaphore, #tpu.memory_space<semaphore_mem>>) src(%dma_wait3A_224 : memref<34928xf32, #tpu.memory_space<hbm>>) dst(%arg6 : memref<34928xf32, #tpu.memory_space<vmem>>)
      tpu.yield
    }) : () -> ()
    "tpu.region"() ({
      %run_scoped3A = tpu.sem_alloc : memref<!tpu.dma_semaphore, #tpu.memory_space<semaphore_mem>>
      %dma_start3A = arith.constant 0 : i32
      %dma_start3A_215 = tpu.memref_slice %arg3[%add3A_2, %dma_start3A] : memref<32x34928xf32, #tpu.memory_space<hbm>> -> memref<1x34928xf32, #tpu.memory_space<hbm>>
      %dma_start3A_216 = tpu.memref_squeeze %dma_start3A_215 : memref<1x34928xf32, #tpu.memory_space<hbm>> -> memref<34928xf32, #tpu.memory_space<hbm>>
      %dma_start3A_217 = arith.constant 0 : i32
      %dma_start3A_218 = tpu.memref_slice %arg3[%add3A_2, %dma_start3A_217] : memref<32x34928xf32, #tpu.memory_space<hbm>> -> memref<1x34928xf32, #tpu.memory_space<hbm>>
      %dma_start3A_219 = tpu.memref_squeeze %dma_start3A_218 : memref<1x34928xf32, #tpu.memory_space<hbm>> -> memref<34928xf32, #tpu.memory_space<hbm>>
      tpu.enqueue_dma source(%dma_start3A_219 : memref<34928xf32, #tpu.memory_space<hbm>>) target(%arg7 : memref<34928xf32, #tpu.memory_space<vmem>>) target_semaphore(%run_scoped3A : memref<!tpu.dma_semaphore, #tpu.memory_space<semaphore_mem>>)
      %dma_wait3A = arith.constant 0 : i32
      %dma_wait3A_220 = tpu.memref_slice %arg3[%add3A_2, %dma_wait3A] : memref<32x34928xf32, #tpu.memory_space<hbm>> -> memref<1x34928xf32, #tpu.memory_space<hbm>>
      %dma_wait3A_221 = tpu.memref_squeeze %dma_wait3A_220 : memref<1x34928xf32, #tpu.memory_space<hbm>> -> memref<34928xf32, #tpu.memory_space<hbm>>
      %dma_wait3A_222 = arith.constant 0 : i32
      %dma_wait3A_223 = tpu.memref_slice %arg3[%add3A_2, %dma_wait3A_222] : memref<32x34928xf32, #tpu.memory_space<hbm>> -> memref<1x34928xf32, #tpu.memory_space<hbm>>
      %dma_wait3A_224 = tpu.memref_squeeze %dma_wait3A_223 : memref<1x34928xf32, #tpu.memory_space<hbm>> -> memref<34928xf32, #tpu.memory_space<hbm>>
      tpu.wait_dma2 semaphore(%run_scoped3A : memref<!tpu.dma_semaphore, #tpu.memory_space<semaphore_mem>>) src(%dma_wait3A_224 : memref<34928xf32, #tpu.memory_space<hbm>>) dst(%arg7 : memref<34928xf32, #tpu.memory_space<vmem>>)
      tpu.yield
    }) : () -> ()
    "tpu.region"() ({
      %run_scoped3A = tpu.sem_alloc : memref<!tpu.dma_semaphore, #tpu.memory_space<semaphore_mem>>
      %dma_start3A = arith.constant 0 : i32
      %dma_start3A_215 = tpu.memref_slice %arg4[%add3A_2, %dma_start3A] : memref<32x8736xi32, #tpu.memory_space<hbm>> -> memref<1x8736xi32, #tpu.memory_space<hbm>>
      %dma_start3A_216 = tpu.memref_squeeze %dma_start3A_215 : memref<1x8736xi32, #tpu.memory_space<hbm>> -> memref<8736xi32, #tpu.memory_space<hbm>>
      %dma_start3A_217 = arith.constant 0 : i32
      %dma_start3A_218 = tpu.memref_slice %arg4[%add3A_2, %dma_start3A_217] : memref<32x8736xi32, #tpu.memory_space<hbm>> -> memref<1x8736xi32, #tpu.memory_space<hbm>>
      %dma_start3A_219 = tpu.memref_squeeze %dma_start3A_218 : memref<1x8736xi32, #tpu.memory_space<hbm>> -> memref<8736xi32, #tpu.memory_space<hbm>>
      tpu.enqueue_dma source(%dma_start3A_219 : memref<8736xi32, #tpu.memory_space<hbm>>) target(%arg8 : memref<8736xi32, #tpu.memory_space<vmem>>) target_semaphore(%run_scoped3A : memref<!tpu.dma_semaphore, #tpu.memory_space<semaphore_mem>>)
      %dma_wait3A = arith.constant 0 : i32
      %dma_wait3A_220 = tpu.memref_slice %arg4[%add3A_2, %dma_wait3A] : memref<32x8736xi32, #tpu.memory_space<hbm>> -> memref<1x8736xi32, #tpu.memory_space<hbm>>
      %dma_wait3A_221 = tpu.memref_squeeze %dma_wait3A_220 : memref<1x8736xi32, #tpu.memory_space<hbm>> -> memref<8736xi32, #tpu.memory_space<hbm>>
      %dma_wait3A_222 = arith.constant 0 : i32
      %dma_wait3A_223 = tpu.memref_slice %arg4[%add3A_2, %dma_wait3A_222] : memref<32x8736xi32, #tpu.memory_space<hbm>> -> memref<1x8736xi32, #tpu.memory_space<hbm>>
      %dma_wait3A_224 = tpu.memref_squeeze %dma_wait3A_223 : memref<1x8736xi32, #tpu.memory_space<hbm>> -> memref<8736xi32, #tpu.memory_space<hbm>>
      tpu.wait_dma2 semaphore(%run_scoped3A : memref<!tpu.dma_semaphore, #tpu.memory_space<semaphore_mem>>) src(%dma_wait3A_224 : memref<8736xi32, #tpu.memory_space<hbm>>) dst(%arg8 : memref<8736xi32, #tpu.memory_space<vmem>>)
      tpu.yield
    }) : () -> ()
    %broadcast_in_dim3A = arith.constant 0.000000e+00 : f32
    %broadcast_in_dim3A_3 = vector.broadcast %broadcast_in_dim3A : f32 to vector<16xf32>
    %scan3A = arith.constant 0 : i32
    %scan3A_4 = arith.constant 545 : i32
    %scan3A_5 = arith.addi %scan3A, %scan3A_4 : i32
    %scan3A_6 = arith.constant 1 : i32
    %scan3A_7 = scf.for %scan3A_215 = %scan3A to %scan3A_5 step %scan3A_6 iter_args(%scan3A_216 = %broadcast_in_dim3A_3) -> (vector<16xf32>)  : i32 {
      %mul3A_217 = arith.constant 16 : i32
      %mul3A_218 = arith.muli %scan3A_215, %mul3A_217 : i32
      %get3A_219 = arith.index_cast %mul3A_218 : i32 to index
      %get3A_220 = tpu.vector_load %arg8[%get3A_219] {strides = array<i32>} : memref<8736xi32, #tpu.memory_space<vmem>>, vector<16xi32>,
      %get3A_221 = vector.shape_cast %get3A_220 : vector<16xi32> to vector<16xi32>
      %mul3A_222 = arith.constant 64 : i32
      %mul3A_223 = arith.muli %scan3A_215, %mul3A_222 : i32
      %add3A_224 = arith.constant 0 : i32
      %add3A_225 = arith.addi %mul3A_223, %add3A_224 : i32
      %get3A_226 = arith.index_cast %add3A_225 : i32 to index
      %get3A_227 = tpu.vector_load %arg6[%get3A_226] {strides = array<i32>} : memref<34928xf32, #tpu.memory_space<vmem>>, vector<16xf32>,
      %get3A_228 = vector.shape_cast %get3A_227 : vector<16xf32> to vector<16xf32>
      %get3A_229 = arith.index_cast %add3A_225 : i32 to index
      %get3A_230 = tpu.vector_load %arg7[%get3A_229] {strides = array<i32>} : memref<34928xf32, #tpu.memory_space<vmem>>, vector<16xf32>,
      %get3A_231 = vector.shape_cast %get3A_230 : vector<16xf32> to vector<16xf32>
      %add3A_232 = arith.constant 0 : i32
      %add3A_233 = vector.broadcast %add3A_232 : i32 to vector<16xi32>
      %add3A_234 = arith.addi %shift_right_arithmetic3A_1, %add3A_233 : vector<16xi32>
      %broadcast_in_dim3A_235 = vector.shape_cast %add3A_234 : vector<16xi32> to vector<16x1xi32>
      %gather3A_236 = vector.shape_cast %broadcast_in_dim3A_235 : vector<16x1xi32> to vector<16xi32>
      %gather3A_237 = tpu.dynamic_gather %get3A_221[%gather3A_236] in [0] : vector<16xi32>, vector<16xi32> -> vector<16xi32>
      %sub3A_238 = arith.subf %get3A_228, %get3A_231 : vector<16xf32>
      %abs3A_239 = math.absf %sub3A_238 : vector<16xf32>
      %lt3A_240 = arith.constant 1.000000e+00 : f32
      %lt3A_241 = vector.broadcast %lt3A_240 : f32 to vector<16xf32>
      %lt3A_242 = arith.cmpf olt, %abs3A_239, %lt3A_241 : vector<16xf32>
      %mul3A_243 = arith.constant 5.000000e-01 : f32
      %mul3A_244 = vector.broadcast %mul3A_243 : f32 to vector<16xf32>
      %mul3A_245 = arith.mulf %mul3A_244, %sub3A_238 : vector<16xf32>
      %mul3A_246 = arith.mulf %mul3A_245, %sub3A_238 : vector<16xf32>
      %sub3A_247 = arith.constant 5.000000e-01 : f32
      %sub3A_248 = vector.broadcast %sub3A_247 : f32 to vector<16xf32>
      %sub3A_249 = arith.subf %abs3A_239, %sub3A_248 : vector<16xf32>
      %select_n3A_250 = arith.select %lt3A_242, %mul3A_246, %sub3A_249 : vector<16xi1>, vector<16xf32>
      %gt3A_251 = arith.constant 0 : i32
      %gt3A_252 = vector.broadcast %gt3A_251 : i32 to vector<16xi32>
      %gt3A_253 = arith.cmpi sgt, %gather3A_237, %gt3A_252 : vector<16xi32>
      %jit3A_254 = arith.constant 0.000000e+00 : f32
      %broadcast_in_dim3A_255 = vector.broadcast %jit3A_254 : f32 to vector<16xf32>
      %select_n3A_256 = arith.select %gt3A_253, %select_n3A_250, %broadcast_in_dim3A_255 : vector<16xi1>, vector<16xf32>
      %add3A_257 = arith.addf %scan3A_216, %select_n3A_256 : vector<16xf32>
      %mul3A_258 = arith.constant 64 : i32
      %mul3A_259 = arith.muli %scan3A_215, %mul3A_258 : i32
      %add3A_260 = arith.constant 16 : i32
      %add3A_261 = arith.addi %mul3A_259, %add3A_260 : i32
      %get3A_262 = arith.index_cast %add3A_261 : i32 to index
      %get3A_263 = tpu.vector_load %arg6[%get3A_262] {strides = array<i32>} : memref<34928xf32, #tpu.memory_space<vmem>>, vector<16xf32>,
      %get3A_264 = vector.shape_cast %get3A_263 : vector<16xf32> to vector<16xf32>
      %get3A_265 = arith.index_cast %add3A_261 : i32 to index
      %get3A_266 = tpu.vector_load %arg7[%get3A_265] {strides = array<i32>} : memref<34928xf32, #tpu.memory_space<vmem>>, vector<16xf32>,
      %get3A_267 = vector.shape_cast %get3A_266 : vector<16xf32> to vector<16xf32>
      %add3A_268 = arith.constant 4 : i32
      %add3A_269 = vector.broadcast %add3A_268 : i32 to vector<16xi32>
      %add3A_270 = arith.addi %shift_right_arithmetic3A_1, %add3A_269 : vector<16xi32>
      %broadcast_in_dim3A_271 = vector.shape_cast %add3A_270 : vector<16xi32> to vector<16x1xi32>
      %gather3A_272 = vector.shape_cast %broadcast_in_dim3A_271 : vector<16x1xi32> to vector<16xi32>
      %gather3A_273 = tpu.dynamic_gather %get3A_221[%gather3A_272] in [0] : vector<16xi32>, vector<16xi32> -> vector<16xi32>
      %sub3A_274 = arith.subf %get3A_264, %get3A_267 : vector<16xf32>
      %abs3A_275 = math.absf %sub3A_274 : vector<16xf32>
      %lt3A_276 = arith.constant 1.000000e+00 : f32
      %lt3A_277 = vector.broadcast %lt3A_276 : f32 to vector<16xf32>
      %lt3A_278 = arith.cmpf olt, %abs3A_275, %lt3A_277 : vector<16xf32>
      %mul3A_279 = arith.constant 5.000000e-01 : f32
      %mul3A_280 = vector.broadcast %mul3A_279 : f32 to vector<16xf32>
      %mul3A_281 = arith.mulf %mul3A_280, %sub3A_274 : vector<16xf32>
      %mul3A_282 = arith.mulf %mul3A_281, %sub3A_274 : vector<16xf32>
      %sub3A_283 = arith.constant 5.000000e-01 : f32
      %sub3A_284 = vector.broadcast %sub3A_283 : f32 to vector<16xf32>
      %sub3A_285 = arith.subf %abs3A_275, %sub3A_284 : vector<16xf32>
      %select_n3A_286 = arith.select %lt3A_278, %mul3A_282, %sub3A_285 : vector<16xi1>, vector<16xf32>
      %gt3A_287 = arith.constant 0 : i32
      %gt3A_288 = vector.broadcast %gt3A_287 : i32 to vector<16xi32>
      %gt3A_289 = arith.cmpi sgt, %gather3A_273, %gt3A_288 : vector<16xi32>
      %jit3A_290 = arith.constant 0.000000e+00 : f32
      %broadcast_in_dim3A_291 = vector.broadcast %jit3A_290 : f32 to vector<16xf32>
      %select_n3A_292 = arith.select %gt3A_289, %select_n3A_286, %broadcast_in_dim3A_291 : vector<16xi1>, vector<16xf32>
      %add3A_293 = arith.addf %add3A_257, %select_n3A_292 : vector<16xf32>
      %mul3A_294 = arith.constant 64 : i32
      %mul3A_295 = arith.muli %scan3A_215, %mul3A_294 : i32
      %add3A_296 = arith.constant 32 : i32
      %add3A_297 = arith.addi %mul3A_295, %add3A_296 : i32
      %get3A_298 = arith.index_cast %add3A_297 : i32 to index
      %get3A_299 = tpu.vector_load %arg6[%get3A_298] {strides = array<i32>} : memref<34928xf32, #tpu.memory_space<vmem>>, vector<16xf32>,
      %get3A_300 = vector.shape_cast %get3A_299 : vector<16xf32> to vector<16xf32>
      %get3A_301 = arith.index_cast %add3A_297 : i32 to index
      %get3A_302 = tpu.vector_load %arg7[%get3A_301] {strides = array<i32>} : memref<34928xf32, #tpu.memory_space<vmem>>, vector<16xf32>,
      %get3A_303 = vector.shape_cast %get3A_302 : vector<16xf32> to vector<16xf32>
      %add3A_304 = arith.constant 8 : i32
      %add3A_305 = vector.broadcast %add3A_304 : i32 to vector<16xi32>
      %add3A_306 = arith.addi %shift_right_arithmetic3A_1, %add3A_305 : vector<16xi32>
      %broadcast_in_dim3A_307 = vector.shape_cast %add3A_306 : vector<16xi32> to vector<16x1xi32>
      %gather3A_308 = vector.shape_cast %broadcast_in_dim3A_307 : vector<16x1xi32> to vector<16xi32>
      %gather3A_309 = tpu.dynamic_gather %get3A_221[%gather3A_308] in [0] : vector<16xi32>, vector<16xi32> -> vector<16xi32>
      %sub3A_310 = arith.subf %get3A_300, %get3A_303 : vector<16xf32>
      %abs3A_311 = math.absf %sub3A_310 : vector<16xf32>
      %lt3A_312 = arith.constant 1.000000e+00 : f32
      %lt3A_313 = vector.broadcast %lt3A_312 : f32 to vector<16xf32>
      %lt3A_314 = arith.cmpf olt, %abs3A_311, %lt3A_313 : vector<16xf32>
      %mul3A_315 = arith.constant 5.000000e-01 : f32
      %mul3A_316 = vector.broadcast %mul3A_315 : f32 to vector<16xf32>
      %mul3A_317 = arith.mulf %mul3A_316, %sub3A_310 : vector<16xf32>
      %mul3A_318 = arith.mulf %mul3A_317, %sub3A_310 : vector<16xf32>
      %sub3A_319 = arith.constant 5.000000e-01 : f32
      %sub3A_320 = vector.broadcast %sub3A_319 : f32 to vector<16xf32>
      %sub3A_321 = arith.subf %abs3A_311, %sub3A_320 : vector<16xf32>
      %select_n3A_322 = arith.select %lt3A_314, %mul3A_318, %sub3A_321 : vector<16xi1>, vector<16xf32>
      %gt3A_323 = arith.constant 0 : i32
      %gt3A_324 = vector.broadcast %gt3A_323 : i32 to vector<16xi32>
      %gt3A_325 = arith.cmpi sgt, %gather3A_309, %gt3A_324 : vector<16xi32>
      %jit3A_326 = arith.constant 0.000000e+00 : f32
      %broadcast_in_dim3A_327 = vector.broadcast %jit3A_326 : f32 to vector<16xf32>
      %select_n3A_328 = arith.select %gt3A_325, %select_n3A_322, %broadcast_in_dim3A_327 : vector<16xi1>, vector<16xf32>
      %add3A_329 = arith.addf %add3A_293, %select_n3A_328 : vector<16xf32>
      %mul3A_330 = arith.constant 64 : i32
      %mul3A_331 = arith.muli %scan3A_215, %mul3A_330 : i32
      %add3A_332 = arith.constant 48 : i32
      %add3A_333 = arith.addi %mul3A_331, %add3A_332 : i32
      %get3A_334 = arith.index_cast %add3A_333 : i32 to index
      %get3A_335 = tpu.vector_load %arg6[%get3A_334] {strides = array<i32>} : memref<34928xf32, #tpu.memory_space<vmem>>, vector<16xf32>,
      %get3A_336 = vector.shape_cast %get3A_335 : vector<16xf32> to vector<16xf32>
      %get3A_337 = arith.index_cast %add3A_333 : i32 to index
      %get3A_338 = tpu.vector_load %arg7[%get3A_337] {strides = array<i32>} : memref<34928xf32, #tpu.memory_space<vmem>>, vector<16xf32>,
      %get3A_339 = vector.shape_cast %get3A_338 : vector<16xf32> to vector<16xf32>
      %add3A_340 = arith.constant 12 : i32
      %add3A_341 = vector.broadcast %add3A_340 : i32 to vector<16xi32>
      %add3A_342 = arith.addi %shift_right_arithmetic3A_1, %add3A_341 : vector<16xi32>
      %broadcast_in_dim3A_343 = vector.shape_cast %add3A_342 : vector<16xi32> to vector<16x1xi32>
      %gather3A_344 = vector.shape_cast %broadcast_in_dim3A_343 : vector<16x1xi32> to vector<16xi32>
      %gather3A_345 = tpu.dynamic_gather %get3A_221[%gather3A_344] in [0] : vector<16xi32>, vector<16xi32> -> vector<16xi32>
      %sub3A_346 = arith.subf %get3A_336, %get3A_339 : vector<16xf32>
      %abs3A_347 = math.absf %sub3A_346 : vector<16xf32>
      %lt3A_348 = arith.constant 1.000000e+00 : f32
      %lt3A_349 = vector.broadcast %lt3A_348 : f32 to vector<16xf32>
      %lt3A_350 = arith.cmpf olt, %abs3A_347, %lt3A_349 : vector<16xf32>
      %mul3A_351 = arith.constant 5.000000e-01 : f32
      %mul3A_352 = vector.broadcast %mul3A_351 : f32 to vector<16xf32>
      %mul3A_353 = arith.mulf %mul3A_352, %sub3A_346 : vector<16xf32>
      %mul3A_354 = arith.mulf %mul3A_353, %sub3A_346 : vector<16xf32>
      %sub3A_355 = arith.constant 5.000000e-01 : f32
      %sub3A_356 = vector.broadcast %sub3A_355 : f32 to vector<16xf32>
      %sub3A_357 = arith.subf %abs3A_347, %sub3A_356 : vector<16xf32>
      %select_n3A_358 = arith.select %lt3A_350, %mul3A_354, %sub3A_357 : vector<16xi1>, vector<16xf32>
      %gt3A_359 = arith.constant 0 : i32
      %gt3A_360 = vector.broadcast %gt3A_359 : i32 to vector<16xi32>
      %gt3A_361 = arith.cmpi sgt, %gather3A_345, %gt3A_360 : vector<16xi32>
      %jit3A_362 = arith.constant 0.000000e+00 : f32
      %broadcast_in_dim3A_363 = vector.broadcast %jit3A_362 : f32 to vector<16xf32>
      %select_n3A_364 = arith.select %gt3A_361, %select_n3A_358, %broadcast_in_dim3A_363 : vector<16xi1>, vector<16xf32>
      %add3A_365 = arith.addf %add3A_329, %select_n3A_364 : vector<16xf32>
      scf.yield %add3A_365 : vector<16xf32>
    }
    %scan3A_8 = arith.constant 545 : i32
    %get3A = arith.constant 8720 : index
    %get3A_9 = tpu.vector_load %arg8[%get3A] {strides = array<i32>} : memref<8736xi32, #tpu.memory_space<vmem>>, vector<16xi32>,
    %get3A_10 = vector.shape_cast %get3A_9 : vector<16xi32> to vector<16xi32>
    %get3A_11 = arith.constant 34880 : index
    %get3A_12 = tpu.vector_load %arg6[%get3A_11] {strides = array<i32>} : memref<34928xf32, #tpu.memory_space<vmem>>, vector<16xf32>,
    %get3A_13 = vector.shape_cast %get3A_12 : vector<16xf32> to vector<16xf32>
    %get3A_14 = arith.constant 34880 : index
    %get3A_15 = tpu.vector_load %arg7[%get3A_14] {strides = array<i32>} : memref<34928xf32, #tpu.memory_space<vmem>>, vector<16xf32>,
    %get3A_16 = vector.shape_cast %get3A_15 : vector<16xf32> to vector<16xf32>
    %add3A_17 = arith.constant 0 : i32
    %add3A_18 = vector.broadcast %add3A_17 : i32 to vector<16xi32>
    %add3A_19 = arith.addi %shift_right_arithmetic3A_1, %add3A_18 : vector<16xi32>
    %broadcast_in_dim3A_20 = vector.shape_cast %add3A_19 : vector<16xi32> to vector<16x1xi32>
    %gather3A = vector.shape_cast %broadcast_in_dim3A_20 : vector<16x1xi32> to vector<16xi32>
    %gather3A_21 = tpu.dynamic_gather %get3A_10[%gather3A] in [0] : vector<16xi32>, vector<16xi32> -> vector<16xi32>
    %sub3A = arith.subf %get3A_13, %get3A_16 : vector<16xf32>
    %abs3A = math.absf %sub3A : vector<16xf32>
    %lt3A = arith.constant 1.000000e+00 : f32
    %lt3A_22 = vector.broadcast %lt3A : f32 to vector<16xf32>
    %lt3A_23 = arith.cmpf olt, %abs3A, %lt3A_22 : vector<16xf32>
    %mul3A = arith.constant 5.000000e-01 : f32
    %mul3A_24 = vector.broadcast %mul3A : f32 to vector<16xf32>
    %mul3A_25 = arith.mulf %mul3A_24, %sub3A : vector<16xf32>
    %mul3A_26 = arith.mulf %mul3A_25, %sub3A : vector<16xf32>
    %sub3A_27 = arith.constant 5.000000e-01 : f32
    %sub3A_28 = vector.broadcast %sub3A_27 : f32 to vector<16xf32>
    %sub3A_29 = arith.subf %abs3A, %sub3A_28 : vector<16xf32>
    %select_n3A = arith.select %lt3A_23, %mul3A_26, %sub3A_29 : vector<16xi1>, vector<16xf32>
    %gt3A = arith.constant 0 : i32
    %gt3A_30 = vector.broadcast %gt3A : i32 to vector<16xi32>
    %gt3A_31 = arith.cmpi sgt, %gather3A_21, %gt3A_30 : vector<16xi32>
    %jit3A = arith.constant 0.000000e+00 : f32
    %broadcast_in_dim3A_32 = vector.broadcast %jit3A : f32 to vector<16xf32>
    %select_n3A_33 = arith.select %gt3A_31, %select_n3A, %broadcast_in_dim3A_32 : vector<16xi1>, vector<16xf32>
    %add3A_34 = arith.addf %scan3A_7, %select_n3A_33 : vector<16xf32>
    %get3A_35 = arith.constant 34896 : index
    %get3A_36 = tpu.vector_load %arg6[%get3A_35] {strides = array<i32>} : memref<34928xf32, #tpu.memory_space<vmem>>, vector<16xf32>,
    %get3A_37 = vector.shape_cast %get3A_36 : vector<16xf32> to vector<16xf32>
    %get3A_38 = arith.constant 34896 : index
    %get3A_39 = tpu.vector_load %arg7[%get3A_38] {strides = array<i32>} : memref<34928xf32, #tpu.memory_space<vmem>>, vector<16xf32>,
    %get3A_40 = vector.shape_cast %get3A_39 : vector<16xf32> to vector<16xf32>
    %add3A_41 = arith.constant 4 : i32
    %add3A_42 = vector.broadcast %add3A_41 : i32 to vector<16xi32>
    %add3A_43 = arith.addi %shift_right_arithmetic3A_1, %add3A_42 : vector<16xi32>
    %broadcast_in_dim3A_44 = vector.shape_cast %add3A_43 : vector<16xi32> to vector<16x1xi32>
    %gather3A_45 = vector.shape_cast %broadcast_in_dim3A_44 : vector<16x1xi32> to vector<16xi32>
    %gather3A_46 = tpu.dynamic_gather %get3A_10[%gather3A_45] in [0] : vector<16xi32>, vector<16xi32> -> vector<16xi32>
    %sub3A_47 = arith.subf %get3A_37, %get3A_40 : vector<16xf32>
    %abs3A_48 = math.absf %sub3A_47 : vector<16xf32>
    %lt3A_49 = arith.constant 1.000000e+00 : f32
    %lt3A_50 = vector.broadcast %lt3A_49 : f32 to vector<16xf32>
    %lt3A_51 = arith.cmpf olt, %abs3A_48, %lt3A_50 : vector<16xf32>
    %mul3A_52 = arith.constant 5.000000e-01 : f32
    %mul3A_53 = vector.broadcast %mul3A_52 : f32 to vector<16xf32>
    %mul3A_54 = arith.mulf %mul3A_53, %sub3A_47 : vector<16xf32>
    %mul3A_55 = arith.mulf %mul3A_54, %sub3A_47 : vector<16xf32>
    %sub3A_56 = arith.constant 5.000000e-01 : f32
    %sub3A_57 = vector.broadcast %sub3A_56 : f32 to vector<16xf32>
    %sub3A_58 = arith.subf %abs3A_48, %sub3A_57 : vector<16xf32>
    %select_n3A_59 = arith.select %lt3A_51, %mul3A_55, %sub3A_58 : vector<16xi1>, vector<16xf32>
    %gt3A_60 = arith.constant 0 : i32
    %gt3A_61 = vector.broadcast %gt3A_60 : i32 to vector<16xi32>
    %gt3A_62 = arith.cmpi sgt, %gather3A_46, %gt3A_61 : vector<16xi32>
    %jit3A_63 = arith.constant 0.000000e+00 : f32
    %broadcast_in_dim3A_64 = vector.broadcast %jit3A_63 : f32 to vector<16xf32>
    %select_n3A_65 = arith.select %gt3A_62, %select_n3A_59, %broadcast_in_dim3A_64 : vector<16xi1>, vector<16xf32>
    %add3A_66 = arith.addf %add3A_34, %select_n3A_65 : vector<16xf32>
    %get3A_67 = arith.constant 34912 : index
    %get3A_68 = tpu.vector_load %arg6[%get3A_67] {strides = array<i32>} : memref<34928xf32, #tpu.memory_space<vmem>>, vector<16xf32>,
    %get3A_69 = vector.shape_cast %get3A_68 : vector<16xf32> to vector<16xf32>
    %get3A_70 = arith.constant 34912 : index
    %get3A_71 = tpu.vector_load %arg7[%get3A_70] {strides = array<i32>} : memref<34928xf32, #tpu.memory_space<vmem>>, vector<16xf32>,
    %get3A_72 = vector.shape_cast %get3A_71 : vector<16xf32> to vector<16xf32>
    %add3A_73 = arith.constant 8 : i32
    %add3A_74 = vector.broadcast %add3A_73 : i32 to vector<16xi32>
    %add3A_75 = arith.addi %shift_right_arithmetic3A_1, %add3A_74 : vector<16xi32>
    %broadcast_in_dim3A_76 = vector.shape_cast %add3A_75 : vector<16xi32> to vector<16x1xi32>
    %gather3A_77 = vector.shape_cast %broadcast_in_dim3A_76 : vector<16x1xi32> to vector<16xi32>
    %gather3A_78 = tpu.dynamic_gather %get3A_10[%gather3A_77] in [0] : vector<16xi32>, vector<16xi32> -> vector<16xi32>
    %sub3A_79 = arith.subf %get3A_69, %get3A_72 : vector<16xf32>
    %abs3A_80 = math.absf %sub3A_79 : vector<16xf32>
    %lt3A_81 = arith.constant 1.000000e+00 : f32
    %lt3A_82 = vector.broadcast %lt3A_81 : f32 to vector<16xf32>
    %lt3A_83 = arith.cmpf olt, %abs3A_80, %lt3A_82 : vector<16xf32>
    %mul3A_84 = arith.constant 5.000000e-01 : f32
    %mul3A_85 = vector.broadcast %mul3A_84 : f32 to vector<16xf32>
    %mul3A_86 = arith.mulf %mul3A_85, %sub3A_79 : vector<16xf32>
    %mul3A_87 = arith.mulf %mul3A_86, %sub3A_79 : vector<16xf32>
    %sub3A_88 = arith.constant 5.000000e-01 : f32
    %sub3A_89 = vector.broadcast %sub3A_88 : f32 to vector<16xf32>
    %sub3A_90 = arith.subf %abs3A_80, %sub3A_89 : vector<16xf32>
    %select_n3A_91 = arith.select %lt3A_83, %mul3A_87, %sub3A_90 : vector<16xi1>, vector<16xf32>
    %gt3A_92 = arith.constant 0 : i32
    %gt3A_93 = vector.broadcast %gt3A_92 : i32 to vector<16xi32>
    %gt3A_94 = arith.cmpi sgt, %gather3A_78, %gt3A_93 : vector<16xi32>
    %jit3A_95 = arith.constant 0.000000e+00 : f32
    %broadcast_in_dim3A_96 = vector.broadcast %jit3A_95 : f32 to vector<16xf32>
    %select_n3A_97 = arith.select %gt3A_94, %select_n3A_91, %broadcast_in_dim3A_96 : vector<16xi1>, vector<16xf32>
    %add3A_98 = arith.addf %add3A_66, %select_n3A_97 : vector<16xf32>
    %swap3A = arith.constant 0 : index
    %swap3A_99 = tpu.vector_load %arg9[%swap3A] {strides = array<i32>} : memref<16xf32, #tpu.memory_space<vmem>>, vector<16xf32>,
    %swap3A_100 = vector.shape_cast %swap3A_99 : vector<16xf32> to vector<16xf32>
    %swap3A_101 = vector.shape_cast %add3A_98 : vector<16xf32> to vector<16xf32>
    tpu.vector_store %arg9[%swap3A], %swap3A_101 {strides = array<i32>} : memref<16xf32, #tpu.memory_space<vmem>>, vector<16xf32>,
    "tpu.region"() ({
      %run_scoped3A = tpu.sem_alloc : memref<!tpu.dma_semaphore, #tpu.memory_space<semaphore_mem>>
      %dma_start3A = arith.constant 0 : i32
      %dma_start3A_215 = tpu.memref_slice %arg5[%add3A_2, %dma_start3A] : memref<32x16xf32, #tpu.memory_space<hbm>> -> memref<1x16xf32, #tpu.memory_space<hbm>>
      %dma_start3A_216 = tpu.memref_squeeze %dma_start3A_215 : memref<1x16xf32, #tpu.memory_space<hbm>> -> memref<16xf32, #tpu.memory_space<hbm>>
      %dma_start3A_217 = arith.constant 0 : i32
      %dma_start3A_218 = tpu.memref_slice %arg5[%add3A_2, %dma_start3A_217] : memref<32x16xf32, #tpu.memory_space<hbm>> -> memref<1x16xf32, #tpu.memory_space<hbm>>
      %dma_start3A_219 = tpu.memref_squeeze %dma_start3A_218 : memref<1x16xf32, #tpu.memory_space<hbm>> -> memref<16xf32, #tpu.memory_space<hbm>>
      tpu.enqueue_dma source(%arg9 : memref<16xf32, #tpu.memory_space<vmem>>) target(%dma_start3A_219 : memref<16xf32, #tpu.memory_space<hbm>>) target_semaphore(%run_scoped3A : memref<!tpu.dma_semaphore, #tpu.memory_space<semaphore_mem>>)
      %dma_wait3A = arith.constant 0 : i32
      %dma_wait3A_220 = tpu.memref_slice %arg5[%add3A_2, %dma_wait3A] : memref<32x16xf32, #tpu.memory_space<hbm>> -> memref<1x16xf32, #tpu.memory_space<hbm>>
      %dma_wait3A_221 = tpu.memref_squeeze %dma_wait3A_220 : memref<1x16xf32, #tpu.memory_space<hbm>> -> memref<16xf32, #tpu.memory_space<hbm>>
      %dma_wait3A_222 = arith.constant 0 : i32
      %dma_wait3A_223 = tpu.memref_slice %arg5[%add3A_2, %dma_wait3A_222] : memref<32x16xf32, #tpu.memory_space<hbm>> -> memref<1x16xf32, #tpu.memory_space<hbm>>
      %dma_wait3A_224 = tpu.memref_squeeze %dma_wait3A_223 : memref<1x16xf32, #tpu.memory_space<hbm>> -> memref<16xf32, #tpu.memory_space<hbm>>
      tpu.wait_dma2 semaphore(%run_scoped3A : memref<!tpu.dma_semaphore, #tpu.memory_space<semaphore_mem>>) src(%arg9 : memref<16xf32, #tpu.memory_space<vmem>>) dst(%dma_wait3A_224 : memref<16xf32, #tpu.memory_space<hbm>>)
      tpu.yield
    }) : () -> ()
    %add3A_102 = arith.constant 16 : i32
    %add3A_103 = arith.addi %arg1, %add3A_102 : i32
    "tpu.region"() ({
      %run_scoped3A = tpu.sem_alloc : memref<!tpu.dma_semaphore, #tpu.memory_space<semaphore_mem>>
      %dma_start3A = arith.constant 0 : i32
      %dma_start3A_215 = tpu.memref_slice %arg2[%add3A_103, %dma_start3A] : memref<32x34928xf32, #tpu.memory_space<hbm>> -> memref<1x34928xf32, #tpu.memory_space<hbm>>
      %dma_start3A_216 = tpu.memref_squeeze %dma_start3A_215 : memref<1x34928xf32, #tpu.memory_space<hbm>> -> memref<34928xf32, #tpu.memory_space<hbm>>
      %dma_start3A_217 = arith.constant 0 : i32
      %dma_start3A_218 = tpu.memref_slice %arg2[%add3A_103, %dma_start3A_217] : memref<32x34928xf32, #tpu.memory_space<hbm>> -> memref<1x34928xf32, #tpu.memory_space<hbm>>
      %dma_start3A_219 = tpu.memref_squeeze %dma_start3A_218 : memref<1x34928xf32, #tpu.memory_space<hbm>> -> memref<34928xf32, #tpu.memory_space<hbm>>
      tpu.enqueue_dma source(%dma_start3A_219 : memref<34928xf32, #tpu.memory_space<hbm>>) target(%arg6 : memref<34928xf32, #tpu.memory_space<vmem>>) target_semaphore(%run_scoped3A : memref<!tpu.dma_semaphore, #tpu.memory_space<semaphore_mem>>)
      %dma_wait3A = arith.constant 0 : i32
      %dma_wait3A_220 = tpu.memref_slice %arg2[%add3A_103, %dma_wait3A] : memref<32x34928xf32, #tpu.memory_space<hbm>> -> memref<1x34928xf32, #tpu.memory_space<hbm>>
      %dma_wait3A_221 = tpu.memref_squeeze %dma_wait3A_220 : memref<1x34928xf32, #tpu.memory_space<hbm>> -> memref<34928xf32, #tpu.memory_space<hbm>>
      %dma_wait3A_222 = arith.constant 0 : i32
      %dma_wait3A_223 = tpu.memref_slice %arg2[%add3A_103, %dma_wait3A_222] : memref<32x34928xf32, #tpu.memory_space<hbm>> -> memref<1x34928xf32, #tpu.memory_space<hbm>>
      %dma_wait3A_224 = tpu.memref_squeeze %dma_wait3A_223 : memref<1x34928xf32, #tpu.memory_space<hbm>> -> memref<34928xf32, #tpu.memory_space<hbm>>
      tpu.wait_dma2 semaphore(%run_scoped3A : memref<!tpu.dma_semaphore, #tpu.memory_space<semaphore_mem>>) src(%dma_wait3A_224 : memref<34928xf32, #tpu.memory_space<hbm>>) dst(%arg6 : memref<34928xf32, #tpu.memory_space<vmem>>)
      tpu.yield
    }) : () -> ()
    "tpu.region"() ({
      %run_scoped3A = tpu.sem_alloc : memref<!tpu.dma_semaphore, #tpu.memory_space<semaphore_mem>>
      %dma_start3A = arith.constant 0 : i32
      %dma_start3A_215 = tpu.memref_slice %arg3[%add3A_103, %dma_start3A] : memref<32x34928xf32, #tpu.memory_space<hbm>> -> memref<1x34928xf32, #tpu.memory_space<hbm>>
      %dma_start3A_216 = tpu.memref_squeeze %dma_start3A_215 : memref<1x34928xf32, #tpu.memory_space<hbm>> -> memref<34928xf32, #tpu.memory_space<hbm>>
      %dma_start3A_217 = arith.constant 0 : i32
      %dma_start3A_218 = tpu.memref_slice %arg3[%add3A_103, %dma_start3A_217] : memref<32x34928xf32, #tpu.memory_space<hbm>> -> memref<1x34928xf32, #tpu.memory_space<hbm>>
      %dma_start3A_219 = tpu.memref_squeeze %dma_start3A_218 : memref<1x34928xf32, #tpu.memory_space<hbm>> -> memref<34928xf32, #tpu.memory_space<hbm>>
      tpu.enqueue_dma source(%dma_start3A_219 : memref<34928xf32, #tpu.memory_space<hbm>>) target(%arg7 : memref<34928xf32, #tpu.memory_space<vmem>>) target_semaphore(%run_scoped3A : memref<!tpu.dma_semaphore, #tpu.memory_space<semaphore_mem>>)
      %dma_wait3A = arith.constant 0 : i32
      %dma_wait3A_220 = tpu.memref_slice %arg3[%add3A_103, %dma_wait3A] : memref<32x34928xf32, #tpu.memory_space<hbm>> -> memref<1x34928xf32, #tpu.memory_space<hbm>>
      %dma_wait3A_221 = tpu.memref_squeeze %dma_wait3A_220 : memref<1x34928xf32, #tpu.memory_space<hbm>> -> memref<34928xf32, #tpu.memory_space<hbm>>
      %dma_wait3A_222 = arith.constant 0 : i32
      %dma_wait3A_223 = tpu.memref_slice %arg3[%add3A_103, %dma_wait3A_222] : memref<32x34928xf32, #tpu.memory_space<hbm>> -> memref<1x34928xf32, #tpu.memory_space<hbm>>
      %dma_wait3A_224 = tpu.memref_squeeze %dma_wait3A_223 : memref<1x34928xf32, #tpu.memory_space<hbm>> -> memref<34928xf32, #tpu.memory_space<hbm>>
      tpu.wait_dma2 semaphore(%run_scoped3A : memref<!tpu.dma_semaphore, #tpu.memory_space<semaphore_mem>>) src(%dma_wait3A_224 : memref<34928xf32, #tpu.memory_space<hbm>>) dst(%arg7 : memref<34928xf32, #tpu.memory_space<vmem>>)
      tpu.yield
    }) : () -> ()
    "tpu.region"() ({
      %run_scoped3A = tpu.sem_alloc : memref<!tpu.dma_semaphore, #tpu.memory_space<semaphore_mem>>
      %dma_start3A = arith.constant 0 : i32
      %dma_start3A_215 = tpu.memref_slice %arg4[%add3A_103, %dma_start3A] : memref<32x8736xi32, #tpu.memory_space<hbm>> -> memref<1x8736xi32, #tpu.memory_space<hbm>>
      %dma_start3A_216 = tpu.memref_squeeze %dma_start3A_215 : memref<1x8736xi32, #tpu.memory_space<hbm>> -> memref<8736xi32, #tpu.memory_space<hbm>>
      %dma_start3A_217 = arith.constant 0 : i32
      %dma_start3A_218 = tpu.memref_slice %arg4[%add3A_103, %dma_start3A_217] : memref<32x8736xi32, #tpu.memory_space<hbm>> -> memref<1x8736xi32, #tpu.memory_space<hbm>>
      %dma_start3A_219 = tpu.memref_squeeze %dma_start3A_218 : memref<1x8736xi32, #tpu.memory_space<hbm>> -> memref<8736xi32, #tpu.memory_space<hbm>>
      tpu.enqueue_dma source(%dma_start3A_219 : memref<8736xi32, #tpu.memory_space<hbm>>) target(%arg8 : memref<8736xi32, #tpu.memory_space<vmem>>) target_semaphore(%run_scoped3A : memref<!tpu.dma_semaphore, #tpu.memory_space<semaphore_mem>>)
      %dma_wait3A = arith.constant 0 : i32
      %dma_wait3A_220 = tpu.memref_slice %arg4[%add3A_103, %dma_wait3A] : memref<32x8736xi32, #tpu.memory_space<hbm>> -> memref<1x8736xi32, #tpu.memory_space<hbm>>
      %dma_wait3A_221 = tpu.memref_squeeze %dma_wait3A_220 : memref<1x8736xi32, #tpu.memory_space<hbm>> -> memref<8736xi32, #tpu.memory_space<hbm>>
      %dma_wait3A_222 = arith.constant 0 : i32
      %dma_wait3A_223 = tpu.memref_slice %arg4[%add3A_103, %dma_wait3A_222] : memref<32x8736xi32, #tpu.memory_space<hbm>> -> memref<1x8736xi32, #tpu.memory_space<hbm>>
      %dma_wait3A_224 = tpu.memref_squeeze %dma_wait3A_223 : memref<1x8736xi32, #tpu.memory_space<hbm>> -> memref<8736xi32, #tpu.memory_space<hbm>>
      tpu.wait_dma2 semaphore(%run_scoped3A : memref<!tpu.dma_semaphore, #tpu.memory_space<semaphore_mem>>) src(%dma_wait3A_224 : memref<8736xi32, #tpu.memory_space<hbm>>) dst(%arg8 : memref<8736xi32, #tpu.memory_space<vmem>>)
      tpu.yield
    }) : () -> ()
    %broadcast_in_dim3A_104 = arith.constant 0.000000e+00 : f32
    %broadcast_in_dim3A_105 = vector.broadcast %broadcast_in_dim3A_104 : f32 to vector<16xf32>
    %scan3A_106 = arith.constant 0 : i32
    %scan3A_107 = arith.constant 545 : i32
    %scan3A_108 = arith.addi %scan3A_106, %scan3A_107 : i32
    %scan3A_109 = arith.constant 1 : i32
    %scan3A_110 = scf.for %scan3A_215 = %scan3A_106 to %scan3A_108 step %scan3A_109 iter_args(%scan3A_216 = %broadcast_in_dim3A_105) -> (vector<16xf32>)  : i32 {
      %mul3A_217 = arith.constant 16 : i32
      %mul3A_218 = arith.muli %scan3A_215, %mul3A_217 : i32
      %get3A_219 = arith.index_cast %mul3A_218 : i32 to index
      %get3A_220 = tpu.vector_load %arg8[%get3A_219] {strides = array<i32>} : memref<8736xi32, #tpu.memory_space<vmem>>, vector<16xi32>,
      %get3A_221 = vector.shape_cast %get3A_220 : vector<16xi32> to vector<16xi32>
      %mul3A_222 = arith.constant 64 : i32
      %mul3A_223 = arith.muli %scan3A_215, %mul3A_222 : i32
      %add3A_224 = arith.constant 0 : i32
      %add3A_225 = arith.addi %mul3A_223, %add3A_224 : i32
      %get3A_226 = arith.index_cast %add3A_225 : i32 to index
      %get3A_227 = tpu.vector_load %arg6[%get3A_226] {strides = array<i32>} : memref<34928xf32, #tpu.memory_space<vmem>>, vector<16xf32>,
      %get3A_228 = vector.shape_cast %get3A_227 : vector<16xf32> to vector<16xf32>
      %get3A_229 = arith.index_cast %add3A_225 : i32 to index
      %get3A_230 = tpu.vector_load %arg7[%get3A_229] {strides = array<i32>} : memref<34928xf32, #tpu.memory_space<vmem>>, vector<16xf32>,
      %get3A_231 = vector.shape_cast %get3A_230 : vector<16xf32> to vector<16xf32>
      %add3A_232 = arith.constant 0 : i32
      %add3A_233 = vector.broadcast %add3A_232 : i32 to vector<16xi32>
      %add3A_234 = arith.addi %shift_right_arithmetic3A_1, %add3A_233 : vector<16xi32>
      %broadcast_in_dim3A_235 = vector.shape_cast %add3A_234 : vector<16xi32> to vector<16x1xi32>
      %gather3A_236 = vector.shape_cast %broadcast_in_dim3A_235 : vector<16x1xi32> to vector<16xi32>
      %gather3A_237 = tpu.dynamic_gather %get3A_221[%gather3A_236] in [0] : vector<16xi32>, vector<16xi32> -> vector<16xi32>
      %sub3A_238 = arith.subf %get3A_228, %get3A_231 : vector<16xf32>
      %abs3A_239 = math.absf %sub3A_238 : vector<16xf32>
      %lt3A_240 = arith.constant 1.000000e+00 : f32
      %lt3A_241 = vector.broadcast %lt3A_240 : f32 to vector<16xf32>
      %lt3A_242 = arith.cmpf olt, %abs3A_239, %lt3A_241 : vector<16xf32>
      %mul3A_243 = arith.constant 5.000000e-01 : f32
      %mul3A_244 = vector.broadcast %mul3A_243 : f32 to vector<16xf32>
      %mul3A_245 = arith.mulf %mul3A_244, %sub3A_238 : vector<16xf32>
      %mul3A_246 = arith.mulf %mul3A_245, %sub3A_238 : vector<16xf32>
      %sub3A_247 = arith.constant 5.000000e-01 : f32
      %sub3A_248 = vector.broadcast %sub3A_247 : f32 to vector<16xf32>
      %sub3A_249 = arith.subf %abs3A_239, %sub3A_248 : vector<16xf32>
      %select_n3A_250 = arith.select %lt3A_242, %mul3A_246, %sub3A_249 : vector<16xi1>, vector<16xf32>
      %gt3A_251 = arith.constant 0 : i32
      %gt3A_252 = vector.broadcast %gt3A_251 : i32 to vector<16xi32>
      %gt3A_253 = arith.cmpi sgt, %gather3A_237, %gt3A_252 : vector<16xi32>
      %jit3A_254 = arith.constant 0.000000e+00 : f32
      %broadcast_in_dim3A_255 = vector.broadcast %jit3A_254 : f32 to vector<16xf32>
      %select_n3A_256 = arith.select %gt3A_253, %select_n3A_250, %broadcast_in_dim3A_255 : vector<16xi1>, vector<16xf32>
      %add3A_257 = arith.addf %scan3A_216, %select_n3A_256 : vector<16xf32>
      %mul3A_258 = arith.constant 64 : i32
      %mul3A_259 = arith.muli %scan3A_215, %mul3A_258 : i32
      %add3A_260 = arith.constant 16 : i32
      %add3A_261 = arith.addi %mul3A_259, %add3A_260 : i32
      %get3A_262 = arith.index_cast %add3A_261 : i32 to index
      %get3A_263 = tpu.vector_load %arg6[%get3A_262] {strides = array<i32>} : memref<34928xf32, #tpu.memory_space<vmem>>, vector<16xf32>,
      %get3A_264 = vector.shape_cast %get3A_263 : vector<16xf32> to vector<16xf32>
      %get3A_265 = arith.index_cast %add3A_261 : i32 to index
      %get3A_266 = tpu.vector_load %arg7[%get3A_265] {strides = array<i32>} : memref<34928xf32, #tpu.memory_space<vmem>>, vector<16xf32>,
      %get3A_267 = vector.shape_cast %get3A_266 : vector<16xf32> to vector<16xf32>
      %add3A_268 = arith.constant 4 : i32
      %add3A_269 = vector.broadcast %add3A_268 : i32 to vector<16xi32>
      %add3A_270 = arith.addi %shift_right_arithmetic3A_1, %add3A_269 : vector<16xi32>
      %broadcast_in_dim3A_271 = vector.shape_cast %add3A_270 : vector<16xi32> to vector<16x1xi32>
      %gather3A_272 = vector.shape_cast %broadcast_in_dim3A_271 : vector<16x1xi32> to vector<16xi32>
      %gather3A_273 = tpu.dynamic_gather %get3A_221[%gather3A_272] in [0] : vector<16xi32>, vector<16xi32> -> vector<16xi32>
      %sub3A_274 = arith.subf %get3A_264, %get3A_267 : vector<16xf32>
      %abs3A_275 = math.absf %sub3A_274 : vector<16xf32>
      %lt3A_276 = arith.constant 1.000000e+00 : f32
      %lt3A_277 = vector.broadcast %lt3A_276 : f32 to vector<16xf32>
      %lt3A_278 = arith.cmpf olt, %abs3A_275, %lt3A_277 : vector<16xf32>
      %mul3A_279 = arith.constant 5.000000e-01 : f32
      %mul3A_280 = vector.broadcast %mul3A_279 : f32 to vector<16xf32>
      %mul3A_281 = arith.mulf %mul3A_280, %sub3A_274 : vector<16xf32>
      %mul3A_282 = arith.mulf %mul3A_281, %sub3A_274 : vector<16xf32>
      %sub3A_283 = arith.constant 5.000000e-01 : f32
      %sub3A_284 = vector.broadcast %sub3A_283 : f32 to vector<16xf32>
      %sub3A_285 = arith.subf %abs3A_275, %sub3A_284 : vector<16xf32>
      %select_n3A_286 = arith.select %lt3A_278, %mul3A_282, %sub3A_285 : vector<16xi1>, vector<16xf32>
      %gt3A_287 = arith.constant 0 : i32
      %gt3A_288 = vector.broadcast %gt3A_287 : i32 to vector<16xi32>
      %gt3A_289 = arith.cmpi sgt, %gather3A_273, %gt3A_288 : vector<16xi32>
      %jit3A_290 = arith.constant 0.000000e+00 : f32
      %broadcast_in_dim3A_291 = vector.broadcast %jit3A_290 : f32 to vector<16xf32>
      %select_n3A_292 = arith.select %gt3A_289, %select_n3A_286, %broadcast_in_dim3A_291 : vector<16xi1>, vector<16xf32>
      %add3A_293 = arith.addf %add3A_257, %select_n3A_292 : vector<16xf32>
      %mul3A_294 = arith.constant 64 : i32
      %mul3A_295 = arith.muli %scan3A_215, %mul3A_294 : i32
      %add3A_296 = arith.constant 32 : i32
      %add3A_297 = arith.addi %mul3A_295, %add3A_296 : i32
      %get3A_298 = arith.index_cast %add3A_297 : i32 to index
      %get3A_299 = tpu.vector_load %arg6[%get3A_298] {strides = array<i32>} : memref<34928xf32, #tpu.memory_space<vmem>>, vector<16xf32>,
      %get3A_300 = vector.shape_cast %get3A_299 : vector<16xf32> to vector<16xf32>
      %get3A_301 = arith.index_cast %add3A_297 : i32 to index
      %get3A_302 = tpu.vector_load %arg7[%get3A_301] {strides = array<i32>} : memref<34928xf32, #tpu.memory_space<vmem>>, vector<16xf32>,
      %get3A_303 = vector.shape_cast %get3A_302 : vector<16xf32> to vector<16xf32>
      %add3A_304 = arith.constant 8 : i32
      %add3A_305 = vector.broadcast %add3A_304 : i32 to vector<16xi32>
      %add3A_306 = arith.addi %shift_right_arithmetic3A_1, %add3A_305 : vector<16xi32>
      %broadcast_in_dim3A_307 = vector.shape_cast %add3A_306 : vector<16xi32> to vector<16x1xi32>
      %gather3A_308 = vector.shape_cast %broadcast_in_dim3A_307 : vector<16x1xi32> to vector<16xi32>
      %gather3A_309 = tpu.dynamic_gather %get3A_221[%gather3A_308] in [0] : vector<16xi32>, vector<16xi32> -> vector<16xi32>
      %sub3A_310 = arith.subf %get3A_300, %get3A_303 : vector<16xf32>
      %abs3A_311 = math.absf %sub3A_310 : vector<16xf32>
      %lt3A_312 = arith.constant 1.000000e+00 : f32
      %lt3A_313 = vector.broadcast %lt3A_312 : f32 to vector<16xf32>
      %lt3A_314 = arith.cmpf olt, %abs3A_311, %lt3A_313 : vector<16xf32>
      %mul3A_315 = arith.constant 5.000000e-01 : f32
      %mul3A_316 = vector.broadcast %mul3A_315 : f32 to vector<16xf32>
      %mul3A_317 = arith.mulf %mul3A_316, %sub3A_310 : vector<16xf32>
      %mul3A_318 = arith.mulf %mul3A_317, %sub3A_310 : vector<16xf32>
      %sub3A_319 = arith.constant 5.000000e-01 : f32
      %sub3A_320 = vector.broadcast %sub3A_319 : f32 to vector<16xf32>
      %sub3A_321 = arith.subf %abs3A_311, %sub3A_320 : vector<16xf32>
      %select_n3A_322 = arith.select %lt3A_314, %mul3A_318, %sub3A_321 : vector<16xi1>, vector<16xf32>
      %gt3A_323 = arith.constant 0 : i32
      %gt3A_324 = vector.broadcast %gt3A_323 : i32 to vector<16xi32>
      %gt3A_325 = arith.cmpi sgt, %gather3A_309, %gt3A_324 : vector<16xi32>
      %jit3A_326 = arith.constant 0.000000e+00 : f32
      %broadcast_in_dim3A_327 = vector.broadcast %jit3A_326 : f32 to vector<16xf32>
      %select_n3A_328 = arith.select %gt3A_325, %select_n3A_322, %broadcast_in_dim3A_327 : vector<16xi1>, vector<16xf32>
      %add3A_329 = arith.addf %add3A_293, %select_n3A_328 : vector<16xf32>
      %mul3A_330 = arith.constant 64 : i32
      %mul3A_331 = arith.muli %scan3A_215, %mul3A_330 : i32
      %add3A_332 = arith.constant 48 : i32
      %add3A_333 = arith.addi %mul3A_331, %add3A_332 : i32
      %get3A_334 = arith.index_cast %add3A_333 : i32 to index
      %get3A_335 = tpu.vector_load %arg6[%get3A_334] {strides = array<i32>} : memref<34928xf32, #tpu.memory_space<vmem>>, vector<16xf32>,
      %get3A_336 = vector.shape_cast %get3A_335 : vector<16xf32> to vector<16xf32>
      %get3A_337 = arith.index_cast %add3A_333 : i32 to index
      %get3A_338 = tpu.vector_load %arg7[%get3A_337] {strides = array<i32>} : memref<34928xf32, #tpu.memory_space<vmem>>, vector<16xf32>,
      %get3A_339 = vector.shape_cast %get3A_338 : vector<16xf32> to vector<16xf32>
      %add3A_340 = arith.constant 12 : i32
      %add3A_341 = vector.broadcast %add3A_340 : i32 to vector<16xi32>
      %add3A_342 = arith.addi %shift_right_arithmetic3A_1, %add3A_341 : vector<16xi32>
      %broadcast_in_dim3A_343 = vector.shape_cast %add3A_342 : vector<16xi32> to vector<16x1xi32>
      %gather3A_344 = vector.shape_cast %broadcast_in_dim3A_343 : vector<16x1xi32> to vector<16xi32>
      %gather3A_345 = tpu.dynamic_gather %get3A_221[%gather3A_344] in [0] : vector<16xi32>, vector<16xi32> -> vector<16xi32>
      %sub3A_346 = arith.subf %get3A_336, %get3A_339 : vector<16xf32>
      %abs3A_347 = math.absf %sub3A_346 : vector<16xf32>
      %lt3A_348 = arith.constant 1.000000e+00 : f32
      %lt3A_349 = vector.broadcast %lt3A_348 : f32 to vector<16xf32>
      %lt3A_350 = arith.cmpf olt, %abs3A_347, %lt3A_349 : vector<16xf32>
      %mul3A_351 = arith.constant 5.000000e-01 : f32
      %mul3A_352 = vector.broadcast %mul3A_351 : f32 to vector<16xf32>
      %mul3A_353 = arith.mulf %mul3A_352, %sub3A_346 : vector<16xf32>
      %mul3A_354 = arith.mulf %mul3A_353, %sub3A_346 : vector<16xf32>
      %sub3A_355 = arith.constant 5.000000e-01 : f32
      %sub3A_356 = vector.broadcast %sub3A_355 : f32 to vector<16xf32>
      %sub3A_357 = arith.subf %abs3A_347, %sub3A_356 : vector<16xf32>
      %select_n3A_358 = arith.select %lt3A_350, %mul3A_354, %sub3A_357 : vector<16xi1>, vector<16xf32>
      %gt3A_359 = arith.constant 0 : i32
      %gt3A_360 = vector.broadcast %gt3A_359 : i32 to vector<16xi32>
      %gt3A_361 = arith.cmpi sgt, %gather3A_345, %gt3A_360 : vector<16xi32>
      %jit3A_362 = arith.constant 0.000000e+00 : f32
      %broadcast_in_dim3A_363 = vector.broadcast %jit3A_362 : f32 to vector<16xf32>
      %select_n3A_364 = arith.select %gt3A_361, %select_n3A_358, %broadcast_in_dim3A_363 : vector<16xi1>, vector<16xf32>
      %add3A_365 = arith.addf %add3A_329, %select_n3A_364 : vector<16xf32>
      scf.yield %add3A_365 : vector<16xf32>
    }
    %scan3A_111 = arith.constant 545 : i32
    %get3A_112 = arith.constant 8720 : index
    %get3A_113 = tpu.vector_load %arg8[%get3A_112] {strides = array<i32>} : memref<8736xi32, #tpu.memory_space<vmem>>, vector<16xi32>,
    %get3A_114 = vector.shape_cast %get3A_113 : vector<16xi32> to vector<16xi32>
    %get3A_115 = arith.constant 34880 : index
    %get3A_116 = tpu.vector_load %arg6[%get3A_115] {strides = array<i32>} : memref<34928xf32, #tpu.memory_space<vmem>>, vector<16xf32>,
    %get3A_117 = vector.shape_cast %get3A_116 : vector<16xf32> to vector<16xf32>
    %get3A_118 = arith.constant 34880 : index
    %get3A_119 = tpu.vector_load %arg7[%get3A_118] {strides = array<i32>} : memref<34928xf32, #tpu.memory_space<vmem>>, vector<16xf32>,
    %get3A_120 = vector.shape_cast %get3A_119 : vector<16xf32> to vector<16xf32>
    %add3A_121 = arith.constant 0 : i32
    %add3A_122 = vector.broadcast %add3A_121 : i32 to vector<16xi32>
    %add3A_123 = arith.addi %shift_right_arithmetic3A_1, %add3A_122 : vector<16xi32>
    %broadcast_in_dim3A_124 = vector.shape_cast %add3A_123 : vector<16xi32> to vector<16x1xi32>
    %gather3A_125 = vector.shape_cast %broadcast_in_dim3A_124 : vector<16x1xi32> to vector<16xi32>
    %gather3A_126 = tpu.dynamic_gather %get3A_114[%gather3A_125] in [0] : vector<16xi32>, vector<16xi32> -> vector<16xi32>
    %sub3A_127 = arith.subf %get3A_117, %get3A_120 : vector<16xf32>
    %abs3A_128 = math.absf %sub3A_127 : vector<16xf32>
    %lt3A_129 = arith.constant 1.000000e+00 : f32
    %lt3A_130 = vector.broadcast %lt3A_129 : f32 to vector<16xf32>
    %lt3A_131 = arith.cmpf olt, %abs3A_128, %lt3A_130 : vector<16xf32>
    %mul3A_132 = arith.constant 5.000000e-01 : f32
    %mul3A_133 = vector.broadcast %mul3A_132 : f32 to vector<16xf32>
    %mul3A_134 = arith.mulf %mul3A_133, %sub3A_127 : vector<16xf32>
    %mul3A_135 = arith.mulf %mul3A_134, %sub3A_127 : vector<16xf32>
    %sub3A_136 = arith.constant 5.000000e-01 : f32
    %sub3A_137 = vector.broadcast %sub3A_136 : f32 to vector<16xf32>
    %sub3A_138 = arith.subf %abs3A_128, %sub3A_137 : vector<16xf32>
    %select_n3A_139 = arith.select %lt3A_131, %mul3A_135, %sub3A_138 : vector<16xi1>, vector<16xf32>
    %gt3A_140 = arith.constant 0 : i32
    %gt3A_141 = vector.broadcast %gt3A_140 : i32 to vector<16xi32>
    %gt3A_142 = arith.cmpi sgt, %gather3A_126, %gt3A_141 : vector<16xi32>
    %jit3A_143 = arith.constant 0.000000e+00 : f32
    %broadcast_in_dim3A_144 = vector.broadcast %jit3A_143 : f32 to vector<16xf32>
    %select_n3A_145 = arith.select %gt3A_142, %select_n3A_139, %broadcast_in_dim3A_144 : vector<16xi1>, vector<16xf32>
    %add3A_146 = arith.addf %scan3A_110, %select_n3A_145 : vector<16xf32>
    %get3A_147 = arith.constant 34896 : index
    %get3A_148 = tpu.vector_load %arg6[%get3A_147] {strides = array<i32>} : memref<34928xf32, #tpu.memory_space<vmem>>, vector<16xf32>,
    %get3A_149 = vector.shape_cast %get3A_148 : vector<16xf32> to vector<16xf32>
    %get3A_150 = arith.constant 34896 : index
    %get3A_151 = tpu.vector_load %arg7[%get3A_150] {strides = array<i32>} : memref<34928xf32, #tpu.memory_space<vmem>>, vector<16xf32>,
    %get3A_152 = vector.shape_cast %get3A_151 : vector<16xf32> to vector<16xf32>
    %add3A_153 = arith.constant 4 : i32
    %add3A_154 = vector.broadcast %add3A_153 : i32 to vector<16xi32>
    %add3A_155 = arith.addi %shift_right_arithmetic3A_1, %add3A_154 : vector<16xi32>
    %broadcast_in_dim3A_156 = vector.shape_cast %add3A_155 : vector<16xi32> to vector<16x1xi32>
    %gather3A_157 = vector.shape_cast %broadcast_in_dim3A_156 : vector<16x1xi32> to vector<16xi32>
    %gather3A_158 = tpu.dynamic_gather %get3A_114[%gather3A_157] in [0] : vector<16xi32>, vector<16xi32> -> vector<16xi32>
    %sub3A_159 = arith.subf %get3A_149, %get3A_152 : vector<16xf32>
    %abs3A_160 = math.absf %sub3A_159 : vector<16xf32>
    %lt3A_161 = arith.constant 1.000000e+00 : f32
    %lt3A_162 = vector.broadcast %lt3A_161 : f32 to vector<16xf32>
    %lt3A_163 = arith.cmpf olt, %abs3A_160, %lt3A_162 : vector<16xf32>
    %mul3A_164 = arith.constant 5.000000e-01 : f32
    %mul3A_165 = vector.broadcast %mul3A_164 : f32 to vector<16xf32>
    %mul3A_166 = arith.mulf %mul3A_165, %sub3A_159 : vector<16xf32>
    %mul3A_167 = arith.mulf %mul3A_166, %sub3A_159 : vector<16xf32>
    %sub3A_168 = arith.constant 5.000000e-01 : f32
    %sub3A_169 = vector.broadcast %sub3A_168 : f32 to vector<16xf32>
    %sub3A_170 = arith.subf %abs3A_160, %sub3A_169 : vector<16xf32>
    %select_n3A_171 = arith.select %lt3A_163, %mul3A_167, %sub3A_170 : vector<16xi1>, vector<16xf32>
    %gt3A_172 = arith.constant 0 : i32
    %gt3A_173 = vector.broadcast %gt3A_172 : i32 to vector<16xi32>
    %gt3A_174 = arith.cmpi sgt, %gather3A_158, %gt3A_173 : vector<16xi32>
    %jit3A_175 = arith.constant 0.000000e+00 : f32
    %broadcast_in_dim3A_176 = vector.broadcast %jit3A_175 : f32 to vector<16xf32>
    %select_n3A_177 = arith.select %gt3A_174, %select_n3A_171, %broadcast_in_dim3A_176 : vector<16xi1>, vector<16xf32>
    %add3A_178 = arith.addf %add3A_146, %select_n3A_177 : vector<16xf32>
    %get3A_179 = arith.constant 34912 : index
    %get3A_180 = tpu.vector_load %arg6[%get3A_179] {strides = array<i32>} : memref<34928xf32, #tpu.memory_space<vmem>>, vector<16xf32>,
    %get3A_181 = vector.shape_cast %get3A_180 : vector<16xf32> to vector<16xf32>
    %get3A_182 = arith.constant 34912 : index
    %get3A_183 = tpu.vector_load %arg7[%get3A_182] {strides = array<i32>} : memref<34928xf32, #tpu.memory_space<vmem>>, vector<16xf32>,
    %get3A_184 = vector.shape_cast %get3A_183 : vector<16xf32> to vector<16xf32>
    %add3A_185 = arith.constant 8 : i32
    %add3A_186 = vector.broadcast %add3A_185 : i32 to vector<16xi32>
    %add3A_187 = arith.addi %shift_right_arithmetic3A_1, %add3A_186 : vector<16xi32>
    %broadcast_in_dim3A_188 = vector.shape_cast %add3A_187 : vector<16xi32> to vector<16x1xi32>
    %gather3A_189 = vector.shape_cast %broadcast_in_dim3A_188 : vector<16x1xi32> to vector<16xi32>
    %gather3A_190 = tpu.dynamic_gather %get3A_114[%gather3A_189] in [0] : vector<16xi32>, vector<16xi32> -> vector<16xi32>
    %sub3A_191 = arith.subf %get3A_181, %get3A_184 : vector<16xf32>
    %abs3A_192 = math.absf %sub3A_191 : vector<16xf32>
    %lt3A_193 = arith.constant 1.000000e+00 : f32
    %lt3A_194 = vector.broadcast %lt3A_193 : f32 to vector<16xf32>
    %lt3A_195 = arith.cmpf olt, %abs3A_192, %lt3A_194 : vector<16xf32>
    %mul3A_196 = arith.constant 5.000000e-01 : f32
    %mul3A_197 = vector.broadcast %mul3A_196 : f32 to vector<16xf32>
    %mul3A_198 = arith.mulf %mul3A_197, %sub3A_191 : vector<16xf32>
    %mul3A_199 = arith.mulf %mul3A_198, %sub3A_191 : vector<16xf32>
    %sub3A_200 = arith.constant 5.000000e-01 : f32
    %sub3A_201 = vector.broadcast %sub3A_200 : f32 to vector<16xf32>
    %sub3A_202 = arith.subf %abs3A_192, %sub3A_201 : vector<16xf32>
    %select_n3A_203 = arith.select %lt3A_195, %mul3A_199, %sub3A_202 : vector<16xi1>, vector<16xf32>
    %gt3A_204 = arith.constant 0 : i32
    %gt3A_205 = vector.broadcast %gt3A_204 : i32 to vector<16xi32>
    %gt3A_206 = arith.cmpi sgt, %gather3A_190, %gt3A_205 : vector<16xi32>
    %jit3A_207 = arith.constant 0.000000e+00 : f32
    %broadcast_in_dim3A_208 = vector.broadcast %jit3A_207 : f32 to vector<16xf32>
    %select_n3A_209 = arith.select %gt3A_206, %select_n3A_203, %broadcast_in_dim3A_208 : vector<16xi1>, vector<16xf32>
    %add3A_210 = arith.addf %add3A_178, %select_n3A_209 : vector<16xf32>
    %swap3A_211 = arith.constant 0 : index
    %swap3A_212 = tpu.vector_load %arg9[%swap3A_211] {strides = array<i32>} : memref<16xf32, #tpu.memory_space<vmem>>, vector<16xf32>,
    %swap3A_213 = vector.shape_cast %swap3A_212 : vector<16xf32> to vector<16xf32>
    %swap3A_214 = vector.shape_cast %add3A_210 : vector<16xf32> to vector<16xf32>
    tpu.vector_store %arg9[%swap3A_211], %swap3A_214 {strides = array<i32>} : memref<16xf32, #tpu.memory_space<vmem>>, vector<16xf32>,
    "tpu.region"() ({
      %run_scoped3A = tpu.sem_alloc : memref<!tpu.dma_semaphore, #tpu.memory_space<semaphore_mem>>
      %dma_start3A = arith.constant 0 : i32
      %dma_start3A_215 = tpu.memref_slice %arg5[%add3A_103, %dma_start3A] : memref<32x16xf32, #tpu.memory_space<hbm>> -> memref<1x16xf32, #tpu.memory_space<hbm>>
      %dma_start3A_216 = tpu.memref_squeeze %dma_start3A_215 : memref<1x16xf32, #tpu.memory_space<hbm>> -> memref<16xf32, #tpu.memory_space<hbm>>
      %dma_start3A_217 = arith.constant 0 : i32
      %dma_start3A_218 = tpu.memref_slice %arg5[%add3A_103, %dma_start3A_217] : memref<32x16xf32, #tpu.memory_space<hbm>> -> memref<1x16xf32, #tpu.memory_space<hbm>>
      %dma_start3A_219 = tpu.memref_squeeze %dma_start3A_218 : memref<1x16xf32, #tpu.memory_space<hbm>> -> memref<16xf32, #tpu.memory_space<hbm>>
      tpu.enqueue_dma source(%arg9 : memref<16xf32, #tpu.memory_space<vmem>>) target(%dma_start3A_219 : memref<16xf32, #tpu.memory_space<hbm>>) target_semaphore(%run_scoped3A : memref<!tpu.dma_semaphore, #tpu.memory_space<semaphore_mem>>)
      %dma_wait3A = arith.constant 0 : i32
      %dma_wait3A_220 = tpu.memref_slice %arg5[%add3A_103, %dma_wait3A] : memref<32x16xf32, #tpu.memory_space<hbm>> -> memref<1x16xf32, #tpu.memory_space<hbm>>
      %dma_wait3A_221 = tpu.memref_squeeze %dma_wait3A_220 : memref<1x16xf32, #tpu.memory_space<hbm>> -> memref<16xf32, #tpu.memory_space<hbm>>
      %dma_wait3A_222 = arith.constant 0 : i32
      %dma_wait3A_223 = tpu.memref_slice %arg5[%add3A_103, %dma_wait3A_222] : memref<32x16xf32, #tpu.memory_space<hbm>> -> memref<1x16xf32, #tpu.memory_space<hbm>>
      %dma_wait3A_224 = tpu.memref_squeeze %dma_wait3A_223 : memref<1x16xf32, #tpu.memory_space<hbm>> -> memref<16xf32, #tpu.memory_space<hbm>>
      tpu.wait_dma2 semaphore(%run_scoped3A : memref<!tpu.dma_semaphore, #tpu.memory_space<semaphore_mem>>) src(%arg9 : memref<16xf32, #tpu.memory_space<vmem>>) dst(%dma_wait3A_224 : memref<16xf32, #tpu.memory_space<hbm>>)
      tpu.yield
    }) : () -> ()
    return
  }
}

module attributes {stable_mosaic.version = 14 : i64} {
  func.func @_pass_a_body(%arg0: i32, %arg1: memref<2x8732x81xf32, #tpu.memory_space<vmem>>, %arg2: memref<2x1x8732xi32, #tpu.memory_space<vmem>>, %arg3: memref<2x1x8732xf32, #tpu.memory_space<vmem>>, %arg4: memref<2x1x8732xf32, #tpu.memory_space<vmem>>) attributes {dimension_semantics = [#tpu.dimension_semantics<arbitrary>], iteration_bounds = array<i64: 16>, scalar_prefetch = 0 : i64, scratch_operands = 0 : i64, tpu.core_type = #tpu.core_type<tc>, window_params = [{transform_indices = @transform_0, window_bounds = array<i64: 2, 8732, 81>}, {transform_indices = @transform_1, window_bounds = array<i64: 2, 1, 8732>}, {transform_indices = @transform_2, window_bounds = array<i64: 2, 1, 8732>}, {transform_indices = @transform_3, window_bounds = array<i64: 2, 1, 8732>}]} {
    %get3A = arith.constant 0 : index
    %get3A_0 = arith.constant 0 : index
    %get3A_1 = arith.constant 0 : index
    %get3A_2 = vector.load %arg1[%get3A, %get3A_0, %get3A_1] : memref<2x8732x81xf32, #tpu.memory_space<vmem>>, vector<1x8732x81xf32>
    %get3A_3 = vector.shape_cast %get3A_2 : vector<1x8732x81xf32> to vector<8732x81xf32>
    %transpose3A = tpu.transpose %get3A_3, [1, 0] : vector<8732x81xf32> -> vector<81x8732xf32>
    %get3A_4 = arith.constant 0 : index
    %get3A_5 = arith.constant 0 : index
    %get3A_6 = arith.constant 0 : index
    %get3A_7 = vector.load %arg2[%get3A_4, %get3A_5, %get3A_6] : memref<2x1x8732xi32, #tpu.memory_space<vmem>>, vector<1x1x8732xi32>
    %get3A_8 = vector.shape_cast %get3A_7 : vector<1x1x8732xi32> to vector<1x8732xi32>
    %exp3A = math.exp %transpose3A : vector<81x8732xf32>
    %reduce_sum3A = arith.constant dense<0.000000e+00> : vector<8732xf32>
    %reduce_sum3A_9 = vector.multi_reduction <add>, %exp3A, %reduce_sum3A [0] : vector<81x8732xf32> to vector<8732xf32>
    %broadcast_in_dim3A = vector.shape_cast %reduce_sum3A_9 : vector<8732xf32> to vector<1x8732xf32>
    %log3A = math.log %broadcast_in_dim3A : vector<1x8732xf32>
    %iota3A = tpu.iota {dimensions = array<i32: 0>} : vector<81x8732xi32>
    %eq3A = vector.broadcast %get3A_8 : vector<1x8732xi32> to vector<81x8732xi32>
    %eq3A_10 = arith.cmpi eq, %iota3A, %eq3A : vector<81x8732xi32>
    %jit3A = arith.constant 0.000000e+00 : f32
    %broadcast_in_dim3A_11 = vector.broadcast %jit3A : f32 to vector<81x8732xf32>
    %select_n3A = arith.select %eq3A_10, %transpose3A, %broadcast_in_dim3A_11 : vector<81x8732xi1>, vector<81x8732xf32>
    %reduce_sum3A_12 = arith.constant dense<0.000000e+00> : vector<8732xf32>
    %reduce_sum3A_13 = vector.multi_reduction <add>, %select_n3A, %reduce_sum3A_12 [0] : vector<81x8732xf32> to vector<8732xf32>
    %broadcast_in_dim3A_14 = vector.shape_cast %reduce_sum3A_13 : vector<8732xf32> to vector<1x8732xf32>
    %slice3A = vector.extract_strided_slice %transpose3A {offsets = [0, 0], sizes = [1, 8732], strides = [1, 1]} : vector<81x8732xf32> to vector<1x8732xf32>
    %sub3A = arith.subf %log3A, %slice3A : vector<1x8732xf32>
    %swap3A = arith.constant 0 : index
    %swap3A_15 = arith.constant 0 : index
    %swap3A_16 = arith.constant 0 : index
    %swap3A_17 = vector.load %arg3[%swap3A, %swap3A_15, %swap3A_16] : memref<2x1x8732xf32, #tpu.memory_space<vmem>>, vector<1x1x8732xf32>
    %swap3A_18 = vector.shape_cast %swap3A_17 : vector<1x1x8732xf32> to vector<1x8732xf32>
    %swap3A_19 = vector.shape_cast %sub3A : vector<1x8732xf32> to vector<1x1x8732xf32>
    tpu.vector_store %arg3[%swap3A, %swap3A_15, %swap3A_16], %swap3A_19 {strides = array<i32>} : memref<2x1x8732xf32, #tpu.memory_space<vmem>>, vector<1x1x8732xf32>,
    %sub3A_20 = arith.subf %log3A, %broadcast_in_dim3A_14 : vector<1x8732xf32>
    %swap3A_21 = arith.constant 0 : index
    %swap3A_22 = arith.constant 0 : index
    %swap3A_23 = arith.constant 0 : index
    %swap3A_24 = vector.load %arg4[%swap3A_21, %swap3A_22, %swap3A_23] : memref<2x1x8732xf32, #tpu.memory_space<vmem>>, vector<1x1x8732xf32>
    %swap3A_25 = vector.shape_cast %swap3A_24 : vector<1x1x8732xf32> to vector<1x8732xf32>
    %swap3A_26 = vector.shape_cast %sub3A_20 : vector<1x8732xf32> to vector<1x1x8732xf32>
    tpu.vector_store %arg4[%swap3A_21, %swap3A_22, %swap3A_23], %swap3A_26 {strides = array<i32>} : memref<2x1x8732xf32, #tpu.memory_space<vmem>>, vector<1x1x8732xf32>,
    %get3A_27 = arith.constant 1 : index
    %get3A_28 = arith.constant 0 : index
    %get3A_29 = arith.constant 0 : index
    %get3A_30 = vector.load %arg1[%get3A_27, %get3A_28, %get3A_29] : memref<2x8732x81xf32, #tpu.memory_space<vmem>>, vector<1x8732x81xf32>
    %get3A_31 = vector.shape_cast %get3A_30 : vector<1x8732x81xf32> to vector<8732x81xf32>
    %transpose3A_32 = tpu.transpose %get3A_31, [1, 0] : vector<8732x81xf32> -> vector<81x8732xf32>
    %get3A_33 = arith.constant 1 : index
    %get3A_34 = arith.constant 0 : index
    %get3A_35 = arith.constant 0 : index
    %get3A_36 = vector.load %arg2[%get3A_33, %get3A_34, %get3A_35] : memref<2x1x8732xi32, #tpu.memory_space<vmem>>, vector<1x1x8732xi32>
    %get3A_37 = vector.shape_cast %get3A_36 : vector<1x1x8732xi32> to vector<1x8732xi32>
    %exp3A_38 = math.exp %transpose3A_32 : vector<81x8732xf32>
    %reduce_sum3A_39 = arith.constant dense<0.000000e+00> : vector<8732xf32>
    %reduce_sum3A_40 = vector.multi_reduction <add>, %exp3A_38, %reduce_sum3A_39 [0] : vector<81x8732xf32> to vector<8732xf32>
    %broadcast_in_dim3A_41 = vector.shape_cast %reduce_sum3A_40 : vector<8732xf32> to vector<1x8732xf32>
    %log3A_42 = math.log %broadcast_in_dim3A_41 : vector<1x8732xf32>
    %iota3A_43 = tpu.iota {dimensions = array<i32: 0>} : vector<81x8732xi32>
    %eq3A_44 = vector.broadcast %get3A_37 : vector<1x8732xi32> to vector<81x8732xi32>
    %eq3A_45 = arith.cmpi eq, %iota3A_43, %eq3A_44 : vector<81x8732xi32>
    %jit3A_46 = arith.constant 0.000000e+00 : f32
    %broadcast_in_dim3A_47 = vector.broadcast %jit3A_46 : f32 to vector<81x8732xf32>
    %select_n3A_48 = arith.select %eq3A_45, %transpose3A_32, %broadcast_in_dim3A_47 : vector<81x8732xi1>, vector<81x8732xf32>
    %reduce_sum3A_49 = arith.constant dense<0.000000e+00> : vector<8732xf32>
    %reduce_sum3A_50 = vector.multi_reduction <add>, %select_n3A_48, %reduce_sum3A_49 [0] : vector<81x8732xf32> to vector<8732xf32>
    %broadcast_in_dim3A_51 = vector.shape_cast %reduce_sum3A_50 : vector<8732xf32> to vector<1x8732xf32>
    %slice3A_52 = vector.extract_strided_slice %transpose3A_32 {offsets = [0, 0], sizes = [1, 8732], strides = [1, 1]} : vector<81x8732xf32> to vector<1x8732xf32>
    %sub3A_53 = arith.subf %log3A_42, %slice3A_52 : vector<1x8732xf32>
    %swap3A_54 = arith.constant 1 : index
    %swap3A_55 = arith.constant 0 : index
    %swap3A_56 = arith.constant 0 : index
    %swap3A_57 = vector.load %arg3[%swap3A_54, %swap3A_55, %swap3A_56] : memref<2x1x8732xf32, #tpu.memory_space<vmem>>, vector<1x1x8732xf32>
    %swap3A_58 = vector.shape_cast %swap3A_57 : vector<1x1x8732xf32> to vector<1x8732xf32>
    %swap3A_59 = vector.shape_cast %sub3A_53 : vector<1x8732xf32> to vector<1x1x8732xf32>
    tpu.vector_store %arg3[%swap3A_54, %swap3A_55, %swap3A_56], %swap3A_59 {strides = array<i32>} : memref<2x1x8732xf32, #tpu.memory_space<vmem>>, vector<1x1x8732xf32>,
    %sub3A_60 = arith.subf %log3A_42, %broadcast_in_dim3A_51 : vector<1x8732xf32>
    %swap3A_61 = arith.constant 1 : index
    %swap3A_62 = arith.constant 0 : index
    %swap3A_63 = arith.constant 0 : index
    %swap3A_64 = vector.load %arg4[%swap3A_61, %swap3A_62, %swap3A_63] : memref<2x1x8732xf32, #tpu.memory_space<vmem>>, vector<1x1x8732xf32>
    %swap3A_65 = vector.shape_cast %swap3A_64 : vector<1x1x8732xf32> to vector<1x8732xf32>
    %swap3A_66 = vector.shape_cast %sub3A_60 : vector<1x8732xf32> to vector<1x1x8732xf32>
    tpu.vector_store %arg4[%swap3A_61, %swap3A_62, %swap3A_63], %swap3A_66 {strides = array<i32>} : memref<2x1x8732xf32, #tpu.memory_space<vmem>>, vector<1x1x8732xf32>,
    return
  }
  func.func @transform_0(%arg0: i32) -> (i32, i32, i32) {
    %c0_i32 = arith.constant 0 : i32
    %c0_i32_0 = arith.constant 0 : i32
    %c0_i32_1 = arith.constant 0 : i32
    return %arg0, %c0_i32, %c0_i32_0 : i32, i32, i32
  }
  func.func @transform_1(%arg0: i32) -> (i32, i32, i32) {
    %c0_i32 = arith.constant 0 : i32
    %c0_i32_0 = arith.constant 0 : i32
    %c0_i32_1 = arith.constant 0 : i32
    return %arg0, %c0_i32, %c0_i32_0 : i32, i32, i32
  }
  func.func @transform_2(%arg0: i32) -> (i32, i32, i32) {
    %c0_i32 = arith.constant 0 : i32
    %c0_i32_0 = arith.constant 0 : i32
    %c0_i32_1 = arith.constant 0 : i32
    return %arg0, %c0_i32, %c0_i32_0 : i32, i32, i32
  }
  func.func @transform_3(%arg0: i32) -> (i32, i32, i32) {
    %c0_i32 = arith.constant 0 : i32
    %c0_i32_0 = arith.constant 0 : i32
    %c0_i32_1 = arith.constant 0 : i32
    return %arg0, %c0_i32, %c0_i32_0 : i32, i32, i32
  }
}

module attributes {stable_mosaic.version = 14 : i64} {
  func.func @_pass_b_body(%arg0: memref<32x8732xf32, #tpu.memory_space<vmem>>, %arg1: memref<32x8732xf32, #tpu.memory_space<vmem>>, %arg2: memref<32x8732xi32, #tpu.memory_space<vmem>>, %arg3: memref<32x16xf32, #tpu.memory_space<vmem>>, %arg4: memref<1x1xf32, #tpu.memory_space<vmem>>, %arg5: memref<1x1xf32, #tpu.memory_space<vmem>>) attributes {dimension_semantics = [], scalar_prefetch = 0 : i64, scratch_operands = 0 : i64, tpu.core_type = #tpu.core_type<tc>} {
    %get3A = arith.constant 0 : index
    %get3A_0 = arith.constant 0 : index
    %get3A_1 = vector.load %arg0[%get3A, %get3A_0] : memref<32x8732xf32, #tpu.memory_space<vmem>>, vector<32x8732xf32>
    %get3A_2 = arith.constant 0 : index
    %get3A_3 = arith.constant 0 : index
    %get3A_4 = vector.load %arg1[%get3A_2, %get3A_3] : memref<32x8732xf32, #tpu.memory_space<vmem>>, vector<32x8732xf32>
    %get3A_5 = arith.constant 0 : index
    %get3A_6 = arith.constant 0 : index
    %get3A_7 = vector.load %arg2[%get3A_5, %get3A_6] : memref<32x8732xi32, #tpu.memory_space<vmem>>, vector<32x8732xi32>
    %gt3A = arith.constant 0 : i32
    %gt3A_8 = vector.broadcast %gt3A : i32 to vector<32x8732xi32>
    %gt3A_9 = arith.cmpi sgt, %get3A_7, %gt3A_8 : vector<32x8732xi32>
    %not3A = arith.constant dense<true> : vector<32x8732xi1>
    %not3A_10 = arith.xori %gt3A_9, %not3A : vector<32x8732xi1>
    %convert_element_type3A = arith.extui %gt3A_9 : vector<32x8732xi1> to vector<32x8732xi32>
    %reduce_sum3A = arith.constant dense<0> : vector<32xi32>
    %reduce_sum3A_11 = vector.multi_reduction <add>, %convert_element_type3A, %reduce_sum3A [1] : vector<32x8732xi32> to vector<32xi32>
    %broadcast_in_dim3A = vector.shape_cast %reduce_sum3A_11 : vector<32xi32> to vector<32x1xi32>
    %sub3A = arith.constant 8732 : i32
    %sub3A_12 = vector.broadcast %sub3A : i32 to vector<32x1xi32>
    %sub3A_13 = arith.subi %sub3A_12, %broadcast_in_dim3A : vector<32x1xi32>
    %mul3A = arith.constant 3 : i32
    %mul3A_14 = vector.broadcast %mul3A : i32 to vector<32x1xi32>
    %mul3A_15 = arith.muli %broadcast_in_dim3A, %mul3A_14 : vector<32x1xi32>
    %min3A = arith.minsi %mul3A_15, %sub3A_13 : vector<32x1xi32>
    %bitcast_convert_type3A = tpu.bitcast %get3A_1 : vector<32x8732xf32> -> vector<32x8732xi32>
    %shift_right_arithmetic3A = arith.constant 31 : i32
    %shift_right_arithmetic3A_16 = vector.broadcast %shift_right_arithmetic3A : i32 to vector<32x8732xi32>
    %shift_right_arithmetic3A_17 = arith.shrsi %bitcast_convert_type3A, %shift_right_arithmetic3A_16 : vector<32x8732xi32>
    %and3A = arith.constant 2147483647 : i32
    %and3A_18 = vector.broadcast %and3A : i32 to vector<32x8732xi32>
    %and3A_19 = arith.andi %shift_right_arithmetic3A_17, %and3A_18 : vector<32x8732xi32>
    %xor3A = arith.xori %bitcast_convert_type3A, %and3A_19 : vector<32x8732xi32>
    %broadcast_in_dim3A_20 = arith.constant 0 : i32
    %broadcast_in_dim3A_21 = vector.broadcast %broadcast_in_dim3A_20 : i32 to vector<32x1xi32>
    %scan3A = arith.constant -2147483648 : i32
    %scan3A_22 = arith.constant 0 : i32
    %scan3A_23 = arith.constant 32 : i32
    %scan3A_24 = arith.addi %scan3A_22, %scan3A_23 : i32
    %scan3A_25 = arith.constant 1 : i32
    %scan3A_26 = scf.for %scan3A_96 = %scan3A_22 to %scan3A_24 step %scan3A_25 iter_args(%scan3A_97 = %broadcast_in_dim3A_21) -> (vector<32x1xi32>)  : i32 {
      %sub3A_98 = arith.constant 31 : i32
      %sub3A_99 = arith.subi %sub3A_98, %scan3A_96 : i32
      %shift_left3A = arith.constant 1 : i32
      %shift_left3A_100 = arith.shli %shift_left3A, %sub3A_99 : i32
      %or3A_101 = vector.broadcast %shift_left3A_100 : i32 to vector<32x1xi32>
      %or3A_102 = arith.ori %scan3A_97, %or3A_101 : vector<32x1xi32>
      %xor3A_103 = vector.broadcast %scan3A : i32 to vector<32x1xi32>
      %xor3A_104 = arith.xori %or3A_102, %xor3A_103 : vector<32x1xi32>
      %ge3A = vector.broadcast %xor3A_104 : vector<32x1xi32> to vector<32x8732xi32>
      %ge3A_105 = arith.cmpi sge, %xor3A, %ge3A : vector<32x8732xi32>
      %and3A_106 = arith.andi %not3A_10, %ge3A_105 : vector<32x8732xi1>
      %convert_element_type3A_107 = arith.extui %and3A_106 : vector<32x8732xi1> to vector<32x8732xi32>
      %reduce_sum3A_108 = arith.constant dense<0> : vector<32xi32>
      %reduce_sum3A_109 = vector.multi_reduction <add>, %convert_element_type3A_107, %reduce_sum3A_108 [1] : vector<32x8732xi32> to vector<32xi32>
      %broadcast_in_dim3A_110 = vector.shape_cast %reduce_sum3A_109 : vector<32xi32> to vector<32x1xi32>
      %ge3A_111 = arith.cmpi sge, %broadcast_in_dim3A_110, %min3A : vector<32x1xi32>
      %select_n3A_112 = arith.select %ge3A_111, %or3A_102, %scan3A_97 : vector<32x1xi1>, vector<32x1xi32>
      scf.yield %select_n3A_112 : vector<32x1xi32>
    }
    %scan3A_27 = arith.constant 32 : i32
    %xor3A_28 = arith.constant -2147483648 : i32
    %xor3A_29 = vector.broadcast %xor3A_28 : i32 to vector<32x1xi32>
    %xor3A_30 = arith.xori %scan3A_26, %xor3A_29 : vector<32x1xi32>
    %gt3A_31 = vector.broadcast %xor3A_30 : vector<32x1xi32> to vector<32x8732xi32>
    %gt3A_32 = arith.cmpi sgt, %xor3A, %gt3A_31 : vector<32x8732xi32>
    %and3A_33 = arith.andi %not3A_10, %gt3A_32 : vector<32x8732xi1>
    %convert_element_type3A_34 = arith.extui %and3A_33 : vector<32x8732xi1> to vector<32x8732xi32>
    %reduce_sum3A_35 = arith.constant dense<0> : vector<32xi32>
    %reduce_sum3A_36 = vector.multi_reduction <add>, %convert_element_type3A_34, %reduce_sum3A_35 [1] : vector<32x8732xi32> to vector<32xi32>
    %broadcast_in_dim3A_37 = vector.shape_cast %reduce_sum3A_36 : vector<32xi32> to vector<32x1xi32>
    %eq3A = vector.broadcast %xor3A_30 : vector<32x1xi32> to vector<32x8732xi32>
    %eq3A_38 = arith.cmpi eq, %xor3A, %eq3A : vector<32x8732xi32>
    %and3A_39 = arith.andi %not3A_10, %eq3A_38 : vector<32x8732xi1>
    %convert_element_type3A_40 = arith.extui %and3A_39 : vector<32x8732xi1> to vector<32x8732xi32>
    %reduce_sum3A_41 = arith.constant dense<0> : vector<32xi32>
    %reduce_sum3A_42 = vector.multi_reduction <add>, %convert_element_type3A_40, %reduce_sum3A_41 [1] : vector<32x8732xi32> to vector<32xi32>
    %broadcast_in_dim3A_43 = vector.shape_cast %reduce_sum3A_42 : vector<32xi32> to vector<32x1xi32>
    %sub3A_44 = arith.subi %min3A, %broadcast_in_dim3A_37 : vector<32x1xi32>
    %jit3A = arith.constant 0 : i32
    %max3A = vector.broadcast %jit3A : i32 to vector<32x1xi32>
    %max3A_45 = arith.maxsi %max3A, %sub3A_44 : vector<32x1xi32>
    %min3A_46 = arith.minsi %broadcast_in_dim3A_43, %max3A_45 : vector<32x1xi32>
    %iota3A = tpu.iota {dimensions = array<i32: 1>} : vector<32x8732xi32>
    %broadcast_in_dim3A_47 = arith.constant 0 : i32
    %broadcast_in_dim3A_48 = vector.broadcast %broadcast_in_dim3A_47 : i32 to vector<32x1xi32>
    %scan3A_49 = arith.constant 0 : i32
    %scan3A_50 = arith.constant 14 : i32
    %scan3A_51 = arith.addi %scan3A_49, %scan3A_50 : i32
    %scan3A_52 = arith.constant 1 : i32
    %scan3A_53 = scf.for %scan3A_96 = %scan3A_49 to %scan3A_51 step %scan3A_52 iter_args(%scan3A_97 = %broadcast_in_dim3A_48) -> (vector<32x1xi32>)  : i32 {
      %sub3A_98 = arith.constant 13 : i32
      %sub3A_99 = arith.subi %sub3A_98, %scan3A_96 : i32
      %shift_left3A = arith.constant 1 : i32
      %shift_left3A_100 = arith.shli %shift_left3A, %sub3A_99 : i32
      %or3A_101 = vector.broadcast %shift_left3A_100 : i32 to vector<32x1xi32>
      %or3A_102 = arith.ori %scan3A_97, %or3A_101 : vector<32x1xi32>
      %lt3A_103 = vector.broadcast %or3A_102 : vector<32x1xi32> to vector<32x8732xi32>
      %lt3A_104 = arith.cmpi slt, %iota3A, %lt3A_103 : vector<32x8732xi32>
      %and3A_105 = arith.andi %and3A_39, %lt3A_104 : vector<32x8732xi1>
      %convert_element_type3A_106 = arith.extui %and3A_105 : vector<32x8732xi1> to vector<32x8732xi32>
      %reduce_sum3A_107 = arith.constant dense<0> : vector<32xi32>
      %reduce_sum3A_108 = vector.multi_reduction <add>, %convert_element_type3A_106, %reduce_sum3A_107 [1] : vector<32x8732xi32> to vector<32xi32>
      %broadcast_in_dim3A_109 = vector.shape_cast %reduce_sum3A_108 : vector<32xi32> to vector<32x1xi32>
      %lt3A_110 = arith.cmpi slt, %broadcast_in_dim3A_109, %min3A_46 : vector<32x1xi32>
      %select_n3A_111 = arith.select %lt3A_110, %or3A_102, %scan3A_97 : vector<32x1xi1>, vector<32x1xi32>
      scf.yield %select_n3A_111 : vector<32x1xi32>
    }
    %scan3A_54 = arith.constant 14 : i32
    %gt3A_55 = arith.constant 0 : i32
    %gt3A_56 = vector.broadcast %gt3A_55 : i32 to vector<32x1xi32>
    %gt3A_57 = arith.cmpi sgt, %min3A_46, %gt3A_56 : vector<32x1xi32>
    %add3A = arith.constant 1 : i32
    %add3A_58 = vector.broadcast %add3A : i32 to vector<32x1xi32>
    %add3A_59 = arith.addi %scan3A_53, %add3A_58 : vector<32x1xi32>
    %jit3A_60 = arith.constant 0 : i32
    %broadcast_in_dim3A_61 = vector.broadcast %jit3A_60 : i32 to vector<32x1xi32>
    %select_n3A = arith.select %gt3A_57, %add3A_59, %broadcast_in_dim3A_61 : vector<32x1xi1>, vector<32x1xi32>
    %or3A = arith.ori %gt3A_9, %and3A_33 : vector<32x8732xi1>
    %lt3A = vector.broadcast %select_n3A : vector<32x1xi32> to vector<32x8732xi32>
    %lt3A_62 = arith.cmpi slt, %iota3A, %lt3A : vector<32x8732xi32>
    %and3A_63 = arith.andi %and3A_39, %lt3A_62 : vector<32x8732xi1>
    %or3A_64 = arith.ori %or3A, %and3A_63 : vector<32x8732xi1>
    %jit3A_65 = arith.constant 0.000000e+00 : f32
    %broadcast_in_dim3A_66 = vector.broadcast %jit3A_65 : f32 to vector<32x8732xf32>
    %select_n3A_67 = arith.select %or3A_64, %get3A_4, %broadcast_in_dim3A_66 : vector<32x8732xi1>, vector<32x8732xf32>
    %reduce_sum3A_68 = vector.shape_cast %select_n3A_67 : vector<32x8732xf32> to vector<1x32x8732xf32>
    %reduce_sum3A_69 = arith.constant dense<0.000000e+00> : vector<1xf32>
    %reduce_sum3A_70 = vector.multi_reduction <add>, %reduce_sum3A_68, %reduce_sum3A_69 [1, 2] : vector<1x32x8732xf32> to vector<1xf32>
    %reduce_sum3A_71 = vector.shape_cast %reduce_sum3A_70 : vector<1xf32> to vector<1x1x1xf32>
    %reduce_sum3A_72 = vector.extract %reduce_sum3A_71[0, 0, 0] : f32 from vector<1x1x1xf32>
    %broadcast_in_dim3A_73 = vector.broadcast %reduce_sum3A_72 : f32 to vector<1x1xf32>
    %reduce_sum3A_74 = vector.shape_cast %broadcast_in_dim3A : vector<32x1xi32> to vector<1x32x1xi32>
    %reduce_sum3A_75 = arith.constant dense<0> : vector<1xi32>
    %reduce_sum3A_76 = vector.multi_reduction <add>, %reduce_sum3A_74, %reduce_sum3A_75 [1, 2] : vector<1x32x1xi32> to vector<1xi32>
    %reduce_sum3A_77 = vector.shape_cast %reduce_sum3A_76 : vector<1xi32> to vector<1x1x1xi32>
    %reduce_sum3A_78 = vector.extract %reduce_sum3A_77[0, 0, 0] : i32 from vector<1x1x1xi32>
    %broadcast_in_dim3A_79 = vector.broadcast %reduce_sum3A_78 : i32 to vector<1x1xi32>
    %convert_element_type3A_80 = arith.sitofp %broadcast_in_dim3A_79 : vector<1x1xi32> to vector<1x1xf32>
    %get3A_81 = arith.constant 0 : index
    %get3A_82 = arith.constant 0 : index
    %get3A_83 = vector.load %arg3[%get3A_81, %get3A_82] : memref<32x16xf32, #tpu.memory_space<vmem>>, vector<32x16xf32>
    %reduce_sum3A_84 = vector.shape_cast %get3A_83 : vector<32x16xf32> to vector<1x32x16xf32>
    %reduce_sum3A_85 = arith.constant dense<0.000000e+00> : vector<1xf32>
    %reduce_sum3A_86 = vector.multi_reduction <add>, %reduce_sum3A_84, %reduce_sum3A_85 [1, 2] : vector<1x32x16xf32> to vector<1xf32>
    %reduce_sum3A_87 = vector.shape_cast %reduce_sum3A_86 : vector<1xf32> to vector<1x1x1xf32>
    %reduce_sum3A_88 = vector.extract %reduce_sum3A_87[0, 0, 0] : f32 from vector<1x1x1xf32>
    %broadcast_in_dim3A_89 = vector.broadcast %reduce_sum3A_88 : f32 to vector<1x1xf32>
    %div3A = arith.divf %broadcast_in_dim3A_89, %convert_element_type3A_80 : vector<1x1xf32>
    %swap3A = arith.constant 0 : index
    %swap3A_90 = arith.constant 0 : index
    %swap3A_91 = vector.load %arg4[%swap3A, %swap3A_90] : memref<1x1xf32, #tpu.memory_space<vmem>>, vector<1x1xf32>
    tpu.vector_store %arg4[%swap3A, %swap3A_90], %div3A {strides = array<i32>} : memref<1x1xf32, #tpu.memory_space<vmem>>, vector<1x1xf32>,
    %div3A_92 = arith.divf %broadcast_in_dim3A_73, %convert_element_type3A_80 : vector<1x1xf32>
    %swap3A_93 = arith.constant 0 : index
    %swap3A_94 = arith.constant 0 : index
    %swap3A_95 = vector.load %arg5[%swap3A_93, %swap3A_94] : memref<1x1xf32, #tpu.memory_space<vmem>>, vector<1x1xf32>
    tpu.vector_store %arg5[%swap3A_93, %swap3A_94], %div3A_92 {strides = array<i32>} : memref<1x1xf32, #tpu.memory_space<vmem>>, vector<1x1xf32>,
    return
  }
}

</mosaic_0001>

<sc_bundles>
// kernel: kernel.5.cloned.1.call-start
scs
__scs_entry_jumppad:
0x0: {  	(pc) =	sbr.rel $0x88, $3  }
0x1: {  	(tag) =	ssettag $0x0;
	lr =	simm.s32 $0x1  }
0x2: {  	[smem:$0x3F9D] =	sst lr;
	_ =	strace $0xD0000000  }
0x3: {  	_ = 	snop  }
0x4: {  	_ = 	snop  }
0x5: {  	_ = 	snop  }
0x6: {  	_ = 	snop  }
0x7: {  	_ = 	snop  }
__scs_overlays_trampoline_lowered:
0x8: {  	[smem:$0x3FAC] =	sst s0  }
0x9: {  	[smem:$0x3FAD] =	sst s1  }
0xa: {  	[smem:$0x3FAE] =	sst s2  }
0xb: {  	[smem:$0x3FAF] =	sst s3  }
0xc: {  	[smem:$0x3FB0] =	sst s4  }
0xd: {  	[smem:$0x3FB1] =	sst s5  }
0xe: {  	[smem:$0x3FB2] =	sst s6  }
0xf: {  	[smem:$0x3FB3] =	sst s7  }
0x10: {  	[smem:$0x3FB4] =	sst s8  }
0x11: {  	[smem:$0x3FB5] =	sst s9;
	s0 =	simm.s32 @!p0 $0x0  }
0x12: {  	s1 =	sld [smem:$0x3F9B];
	s0 =	simm.s32 @p0 $0x1  }
0x13: {  	[smem:$0x3FB6] =	sst s0;
	s0 =	simm.s32 @!p1 $0x0  }
0x14: {  	s2 =	sld [smem:$0x3F9A];
	s0 =	simm.s32 @p1 $0x1  }
0x15: {  	[smem:$0x3FB7] =	sst s0;
	s0 =	simm.s32 @!p2 $0x0  }
0x16: {  	s3 =	sld [smem:$0x3FDB];
	s0 =	simm.s32 @p2 $0x1  }
0x17: {  	s4 =	simm.s32 $0x1BF5;
	[smem:$0x3FB9] =	sst s0  }
0x18: {  	s0 =	sld [smem:$0x3F9C];
	_ =	swait.ge [sflag:s4], $0x0  }
0x19: {  	s7 =	sld [smem:$0x3F9D]  }
0x1a: {  	s8 =	sadd.s32 $0xFFFFE003, lr  }
0x1b: {  	s9 =	sadd.s32 $0xFFFFFEF7, lr;
	s5 =	simm.s32 $0xFFFFFFFF;
	p2 =	slt.u32 s8, $0xFFFFF086  }
0x1c: {  	p1 =	slt.u32 s9, $0xF7A;
	s5 =	simm.s32 @!p2 $0x0  }
0x1d: {  	s5 =	simm.s32 @p1 $0x1;
	p0 =	seq.s32 s7, s2  }
0x1e: {  	s7 =	smul.u32 @!p0 $0xF7A, s2;
	p2 =	seq.s32 @!p0 s5, $0x0  }
0x1f: {  	s9 =	smul.u32 $0xF7A, s1;
	s8 =	simm.s32 @!p0 $0x1BF5;
	p2 =	por !p2, p0  }
0x20: {  	[sflag:s8] =	ssyncset.s32 @!p0 $0xFFFFF086;
	s6 =	sadd.s32 @!p0 s3, s7;
	s7 =	simm.s32 @!p0 $0x108  }
0x21: {  	s3 =	sadd.s32 s3, s9;
	s6 =	sadd.s32 @!p0 $0x88, s6;
	s7 =	simm.s32 @p2 $0x1082  }
0x22: {  	[simem:s7], [sflag:s8] =	dma.local @!p0 [hbm:s6], $0xF7A  }
0x23: {  	s9 =	sor.u32 $0xD0000000, s2;
	s6 =	simm.s32 $0x108;
	_ =	swait.ge @!p0 [sflag:s8], $0x0  }
0x24: {  	s3 =	sadd.s32 $0x88, s3;
	s6 =	simm.s32 @!p1 $0x1082;
	[sflag:s4] =	ssyncset.s32 $0xFFFFF086  }
0x25: {  	[simem:s6], [sflag:s4] =	dma.local [hbm:s3], $0xF7A  }
0x26: {  	[smem:$0x3F9D] =	sst s1;
	(tag) =	ssettag s2;
	_ =	strace s9  }
0x27: {  	s1 =	sld [smem:$0x3FAD]  }
0x28: {  	s2 =	sld [smem:$0x3FAE]  }
0x29: {  	s4 =	sld [smem:$0x3FB0]  }
0x2a: {  	p0 =	seq.s32 s5, $0x0;
	s5 =	sld [smem:$0x3FB1]  }
0x2b: {  	s6 =	sld [smem:$0x3FB2]  }
0x2c: {  	s7 =	sld [smem:$0x3FB3]  }
0x2d: {  	s3 =	simm.s32 $0x108;
	s8 =	sld [smem:$0x3FB4]  }
0x2e: {  	s3 =	simm.s32 @!p0 $0x1082;
	s9 =	sld [smem:$0x3FB5]  }
0x2f: {  	lr =	sadd.s32 s0, s3;
	s0 =	sld [smem:$0x3FAC]  }
0x30: {  	s3 =	sld [smem:$0x3FAF]  }
0x31: {  	[smem:$0x3FB8] =	sst s10  }
0x32: {  	s10 =	sld [smem:$0x3FB6];
	_ =	sdelay $0x3  }
0x33: {  	p0 =	seq.s32 s10, $0x1;
	s10 =	sld [smem:$0x3FB8];
	_ =	sdelay $0x3  }
0x34: {  	[smem:$0x3FB8] =	sst s10  }
0x35: {  	s10 =	sld [smem:$0x3FB7];
	_ =	sdelay $0x3  }
0x36: {  	p1 =	seq.s32 s10, $0x1;
	s10 =	sld [smem:$0x3FB8];
	_ =	sdelay $0x3  }
0x37: {  	[smem:$0x3FB8] =	sst s10  }
0x38: {  	s10 =	sld [smem:$0x3FB9]  }
0x39: {  	_ = 	snop;
	(pc) =	sbr.ind lr, $3  }
0x3a: {  	_ = 	snop  }
0x3b: {  	_ = 	snop  }
0x3c: {  	p2 =	seq.s32 s10, $0x1;
	s10 =	sld [smem:$0x3FB8]  }
0x3d: {  	_ =	shalt  }
0x3e: {  	_ =	shalt  }
0x3f: {  	_ =	shalt  }
0x40: {  	_ =	shalt  }
0x41: {  	_ =	shalt  }
0x42: {  	_ =	shalt  }
0x43: {  	_ =	shalt  }
0x44: {  	_ =	shalt  }
0x45: {  	_ =	shalt  }
0x46: {  	_ =	shalt  }
0x47: {  	_ =	shalt  }
0x48: {  	_ =	shalt  }
0x49: {  	_ =	shalt  }
0x4a: {  	_ =	shalt  }
0x4b: {  	_ =	shalt  }
0x4c: {  	_ =	shalt  }
0x4d: {  	_ =	shalt  }
0x4e: {  	_ =	shalt  }
0x4f: {  	_ =	shalt  }
0x50: {  	_ =	shalt  }
0x51: {  	_ =	shalt  }
0x52: {  	_ =	shalt  }
0x53: {  	_ =	shalt  }
0x54: {  	_ =	shalt  }
0x55: {  	_ =	shalt  }
0x56: {  	_ =	shalt  }
0x57: {  	_ =	shalt  }
0x58: {  	_ =	shalt  }
0x59: {  	_ =	shalt  }
0x5a: {  	_ =	shalt  }
0x5b: {  	_ =	shalt  }
0x5c: {  	_ =	shalt  }
0x5d: {  	_ =	shalt  }
0x5e: {  	_ =	shalt  }
0x5f: {  	_ =	shalt  }
0x60: {  	_ =	shalt  }
0x61: {  	_ =	shalt  }
0x62: {  	_ =	shalt  }
0x63: {  	_ =	shalt  }
0x64: {  	_ =	shalt  }
0x65: {  	_ =	shalt  }
0x66: {  	_ =	shalt  }
0x67: {  	_ =	shalt  }
0x68: {  	_ =	shalt  }
0x69: {  	_ =	shalt  }
0x6a: {  	_ =	shalt  }
0x6b: {  	_ =	shalt  }
0x6c: {  	_ =	shalt  }
0x6d: {  	_ =	shalt  }
0x6e: {  	_ =	shalt  }
0x6f: {  	_ =	shalt  }
0x70: {  	_ =	shalt  }
0x71: {  	_ =	shalt  }
0x72: {  	_ =	shalt  }
0x73: {  	_ =	shalt  }
0x74: {  	_ =	shalt  }
0x75: {  	_ =	shalt  }
0x76: {  	_ =	shalt  }
0x77: {  	_ =	shalt  }
0x78: {  	_ =	shalt  }
0x79: {  	_ =	shalt  }
0x7a: {  	_ =	shalt  }
0x7b: {  	_ =	shalt  }
0x7c: {  	_ =	shalt  }
0x7d: {  	_ =	shalt  }
0x7e: {  	_ =	shalt  }
0x7f: {  	_ =	shalt  }
0x80: {  	_ =	shalt  }
0x81: {  	_ =	shalt  }
0x82: {  	_ =	shalt  }
0x83: {  	_ =	shalt  }
0x84: {  	_ =	shalt  }
0x85: {  	_ =	shalt  }
0x86: {  	_ =	shalt  }
0x87: {  	_ =	shalt  }
.Lfunc_end0:
.L_simem_size_0:
called_computation_lowered:
.L_overlay_start_0:
0x88: {  	s0 =	sld [smem:$0x3FD9]  }
0x89: {  	s1 =	sld [smem:$0x3FFE];
	_ =	sdelay $0x3  }
0x8a: {  	s0 =	sadd.s32 s1, s0  }
0x8b: {  	[smem:$0x3FC4] =	sst s0  }
0x8c: {  	_ = 	snop  }
0x8d: {  	(tm) =	ssettm $0x1  }
0x8e: {  	s15 =	sld [smem:$0x3FFB];
	_ =	sdelay $0x3  }
0x8f: {  	_ =	strace s15  }
0x90: {  	s0 =	sld [smem:$0x3FFC];
	_ =	sdelay $0x3  }
0x91: {  	_ =	strace s0  }
0x92: {  	s0 =	sld [smem:$0x3FFD];
	_ =	sdelay $0x3  }
0x93: {  	_ =	strace s0  }
0x94: {  	_ =	strace $0x8FFFFFFF  }
0x95: {  	s16 =	sld [smem:$0x3FDB];
	_ =	sdelay $0x1  }
0x96: {  	s17 =	simm.s32 $_scs_section_size  }
0x97: {  	s2 =	simm.s32 $_size__tile_overlayer_lowered;
	s3 =	simm.s32 $_tile_overlayer_lowered  }
0x98: {  	s20 =	simm.s32 $0x1BFF;
	s19 =	sshll.u32 s3, $0x1;
	s0 =	sadd.s32 s17, s16  }
0x99: {  	s4 =	simm.s32 $0x0;
	s18 =	sshll.u32 s2, $0x1;
	s2 =	sadd.s32 s19, s0  }
0x9a: {  	[timem:s4], [sflag:s20] =	dma.local [hbm:s2], s18  }
0x9b: {  	_ =	swait.ge [sflag:s20], s18  }
0x9c: {  	s1 =	ssub.s32 $0x0, s18;
	[sflag:s20] =	ssyncset.done $0x0  }
0x9d: {  	[sflag:s20] =	ssyncadd.s32 s1;
	_ =	sdelay $0x1  }
0x9e: {  	s21 =	simm.s32 $0x1B8B  }
0x9f: {  	_ =	swait.ge [sflag:s21], $0x1  }
0xa0: {  	[sflag:s21] =	ssyncset.done $0x0  }
0xa1: {  	s23 =	simm.s32 $0x1B8E;
	s22 =	sld [smem:$0x3FFE];
	[sflag:s21] =	ssyncadd.s32 $0xFFFFFFFF  }
0xa2: {  	s24 =	simm.s32 $execute0_lowered;
	[smem:$0x3FD2] =	sst s23  }
0xa3: {  	s2 =	sshll.u32 s24, $0x1;
	_ =	strace $0x80000046;
	[dreg:$0x1] =	wrdreg $0xFFFFFFFF  }
0xa4: {  	s25 =	simm.s32 $_size_execute0_lowered;
	s0 =	sadd.s32 s0, s2;
	[dreg:$0x0] =	wrdreg $0x0  }
0xa5: {  	s2 =	sshll.u32 s25, $0x1;
	[dreg:$0x2] =	wrdreg s0  }
0xa6: {  	[dreg:$0x3] =	wrdreg s2  }
0xa7: {  	[dreg:$0x4] =	wrdreg $0xC0  }
0xa8: {  	_ =	task [dreg:s4], $0x5FFFF  }
0xa9: {  	[dreg:$0x1] =	wrdreg $0xFFFFFFFF  }
0xaa: {  	[dreg:$0x0] =	wrdreg $0x60  }
0xab: {  	[dreg:$0x2] =	wrdreg s22  }
0xac: {  	[dreg:$0x3] =	wrdreg $0x9  }
0xad: {  	_ =	task.clear_ibuf [dreg:s4], $0x4FFFF;
	_ =	strace $0x90000046  }
0xae: {  	s26 =	simm.s32 $0x9;
	_ =	strace $0x80000048  }
0xaf: {  	_ =	swait.ge [sflag:s26], $0x1  }
0xb0: {  	[sflag:s26] =	ssyncadd.s32 $0xFFFFFFFF  }
0xb1: {  	_ =	strace $0x90000048  }
0xb2: {  	_ =	sfence  }
0xb3: {  	s28 =	sld [smem:$0x0];
	_ =	sdelay $0x1  }
0xb4: {  	s29 =	srdreg.scid  }
0xb5: {  	s30 =	sshll.u32 s29, $0xD;
	s31 =	sshrl.u32 s29, $0x2  }
0xb6: {  	s1 =	sand.u32 $0x1, s29;
	s2 =	sand.u32 $0x4000, s30;
	s0 =	sadd.s32 s31, s28  }
0xb7: {  	s1 =	sor.u32 s2, s1;
	s0 =	sshll.u32 s0, $0x11  }
0xb8: {  	s0 =	sor.u32 s0, s1  }
0xb9: {  	s0 =	sadd.s32 $0x8F2B, s0  }
0xba: {  	[sflag:s0] =	ssyncadd.remote.s32 $0x1  }
0xbb: {  	_ =	sfence.sel $0xFFFF  }
0xbc: {  	[dreg:$0x0] =	wrdreg $0xFFFFFFFF;
	(pc) =	sbr.abs _section_cstart, $3  }
0xbd: {  	[dreg:$0x1] =	wrdreg $0xFFFFFFFF  }
0xbe: {  	_ =	task.clear_ibuf [dreg:s4], $0x2FFFF;
	_ =	strace $0x9FFFFFFF  }
0xbf: {  	(tm) =	ssettm $0x7FFFFFFF  }
tec
execute0_lowered:
.L_overlay_start_1:
0x0: {  	(tag) =	ssettag $0x1  }
0x1: {  	s0 =	stileid.u32  }
0x2: {  	s7 =	sshrl.u32 s0, $0x3  }
0x3: {  	s3 =	rddreg [dreg:$0x0];
	s2 =	sshll.u32 s0, $0x7;
	s4 =	smul.u32 $0x44400, s7  }
0x4: {  	s1 =	rddreg [dreg:$0x1];
	s5 =	simm.s32 $0x0;
	s2 =	sand.u32 $0x380, s2  }
0x5: {  	s9 =	simm.s32 $0x80;
	s10 =	simm.s32 $0x400;
	s6 =	sor.u32 s2, s4  }
0x6: {  	[smem:$0x7FF] =	sst s5;
	s4 =	sadd.s32 $0x1000, s3;
	s6 =	sshrl.u32 s6, $0x3  }
0x7: {  	s29 =	simm.s32 $0x1;
	_ =	strace $0x80000047;
	s8 =	sadd.s32 s4, s6  }
0x8: {  	[tilespmem:s5], [sflag:$0x1] =	stream.strided.gather [hbm4b:s8+s9], $0x8880, s10, s9, $0x38;
	[tilespmem:$0x13400] =	vst v63  }
0x9: {  	_ =	swait.ge [sflag:s29], $0x8880  }
0xa: {  	s12 =	simm.s32 $0x8880;
	s5 =	sadd.s32 $0x23200, s3;
	[sflag:s29] =	ssyncset.done $0x0  }
0xb: {  	s11 =	smul.u32 $0x11400, s7;
	s6 =	sadd.s32 s5, s6;
	[sflag:s29] =	ssyncadd.s32 $0xFFFF7780  }
0xc: {  	[tilespmem:s12], [sflag:$0x1] =	stream.strided.gather [hbm4b:s6+s9], $0x8880, s10, s9, $0x38;
	[tilespmem:$0x13400] =	vst v63  }
0xd: {  	s11 =	sor.u32 s2, s11;
	_ =	swait.ge [sflag:s29], $0x8880  }
0xe: {  	s11 =	sshrl.u32 s11, $0x3;
	s6 =	sadd.s32 $0x45400, s3;
	[sflag:s29] =	ssyncset.done $0x0  }
0xf: {  	s30 =	simm.s32 $0x11100;
	s11 =	sadd.s32 s6, s11;
	[sflag:s29] =	ssyncadd.s32 $0xFFFF7780  }
0x10: {  	[tilespmem:s30], [sflag:$0x1] =	stream.strided.gather [hbm4b:s11+s9], $0x2280, s10, s9, $0x38;
	[tilespmem:$0x13400] =	vst v63  }
0x11: {  	_ =	swait.ge [sflag:s29], $0x2280  }
0x12: {  	[sflag:s29] =	ssyncset.done $0x0  }
0x13: {  	s31 =	simm.s32 $0x0;
	[sflag:s29] =	ssyncadd.s32 $0xFFFFDD80  }
0x14: {  	v4 =	vld [tilespmem:s31+$0x30]  }
0x15: {  	v6 =	vld [tilespmem:s31+$0x88B0]  }
0x16: {  	v7 =	vld [tilespmem:s30+$0x0]  }
0x17: {  	v8 =	vld [tilespmem:s31+$0x20]  }
0x18: {  	v9 =	vld [tilespmem:s31+$0x88A0]  }
0x19: {  	v10 =	vld [tilespmem:s31+$0x10]  }
0x1a: {  	v11 =	vld [tilespmem:s31+$0x0]  }
0x1b: {  	v0 =	vlaneseq.u32;
	v12 =	vld [tilespmem:s31+$0x8880]  }
0x1c: {  	v1 =	vshrl.u32 v0, $0x2;
	v13 =	vld [tilespmem:s31+$0x8890]  }
0x1d: {  	v14 =	vimm.f32 $0.0e+00;
	v3 =	vor.u32 $0x8, v1  }
0x1e: {  	v2 =	vor.u32 $0x4, v1;
	v0 =	vor.u32 $0xC, v1;
	v15 =	vperm.xlane v7, v3  }
0x1f: {  	v5 =	vperm.xlane v7, v0;
	v16 =	vperm.xlane v7, v2;
	v6 =	vsub.f32 v4, v6  }
0x20: {  	v4 =	vperm.xlane v7, v1;
	v12 =	vsub.f32 v11, v12;
	v17 =	vsub.f32 v8, v9  }
0x21: {  	v13 =	vsub.f32 v10, v13;
	vm1 =	vgt.s32 v16, $0x0;
	vm0 =	vgt.s32 v15, $0x0  }
0x22: {  	s9 =	simm.s32 $0x40;
	v10 =	vmul.f32 $5.000000000e-01, v12;
	v9 =	vand.u32 $0x7FFFFFFF, v6;
	v11 =	vmul.f32 $5.000000000e-01, v6  }
0x23: {  	v7 =	vld [tilespmem:s9+$0x30];
	v15 =	vand.u32 $0x7FFFFFFF, v12;
	vm2 =	vgt.s32 v4, $0x0;
	v20 =	vand.u32 $0x7FFFFFFF, v17  }
0x24: {  	s8 =	simm.s32 $0x11110;
	v8 =	vld [tilespmem:s9+$0x88B0];
	v18 =	vmul.f32 $5.000000000e-01, v13;
	v16 =	vadd.f32 $-5.000000000e-01, v15;
	v12 =	vmul.f32 v10, v12  }
0x25: {  	v4 =	vld [tilespmem:s8+$0x0];
	v19 =	vmul.f32 $5.000000000e-01, v17;
	vm3 =	vlt.f32 v15, $1.000000000e+00;
	v15 =	vand.u32 $0x7FFFFFFF, v13  }
0x26: {  	v10 =	vld [tilespmem:s9+$0x20];
	v18 =	vmul.f32 v18, v13;
	v21 =	vadd.f32 $-5.000000000e-01, v15;
	v16 =	vsel vm3, v12, v16  }
0x27: {  	v13 =	vld [tilespmem:s9+$0x10];
	v16 =	vnsel vm2, $0x0, v16;
	vm2 =	vlt.f32 v15, $1.000000000e+00;
	v15 =	vadd.f32 $-5.000000000e-01, v20  }
0x28: {  	v12 =	vld [tilespmem:s9+$0x88A0];
	v16 =	vadd.f32 v16, v14;
	v21 =	vsel vm2, v18, v21;
	v18 =	vmul.f32 v19, v17  }
0x29: {  	s3 =	sadd.s32 $0x4DE00, s3;
	s10 =	simm.s32 $0x200;
	v14 =	vld [tilespmem:s9+$0x0];
	v17 =	vadd.f32 $-5.000000000e-01, v9;
	v19 =	vnsel vm1, $0x0, v21;
	vm1 =	vlt.f32 v20, $1.000000000e+00  }
.LBB2_1:
0x2a: {  	p0 =	sne.s32 s10, $0x22000;
	v20 =	vld [tilespmem:s9+$0x8880];
	v16 =	vadd.f32 v19, v16;
	v15 =	vsel vm1, v18, v15;
	v6 =	vmul.f32 v11, v6  }
0x2b: {  	v11 =	vld [tilespmem:s9+$0x8890];
	v15 =	vnsel vm0, $0x0, v15;
	vm0 =	vlt.f32 v9, $1.000000000e+00  }
0x2c: {  	v9 =	vadd.f32 v15, v16;
	v6 =	vsel vm0, v6, v17;
	vm0 =	vgt.s32 v5, $0x0  }
0x2d: {  	v15 =	vperm.xlane v4, v3;
	v5 =	vperm.xlane v4, v0;
	v16 =	vnsel vm0, $0x0, v6  }
0x2e: {  	v17 =	vperm.xlane v4, v2;
	v6 =	vsub.f32 v7, v8;
	v16 =	vadd.f32 v16, v9  }
0x2f: {  	v4 =	vperm.xlane v4, v1;
	v18 =	vsub.f32 v10, v12;
	v14 =	vsub.f32 v14, v20  }
0x30: {  	vm1 =	vgt.s32 v17, $0x0;
	vm0 =	vgt.s32 v15, $0x0;
	v12 =	vsub.f32 v13, v11  }
0x31: {  	s9 =	sshra.s32 s10, $0x2;
	v9 =	vand.u32 $0x7FFFFFFF, v6;
	v11 =	vmul.f32 $5.000000000e-01, v6;
	v10 =	vmul.f32 $5.000000000e-01, v14  }
0x32: {  	vm2 =	vgt.s32 v4, $0x0;
	v17 =	vand.u32 $0x7FFFFFFF, v18;
	v13 =	vand.u32 $0x7FFFFFFF, v14;
	v7 =	vld [tilespmem:s9+$0x30]  }
0x33: {  	s8 =	sadd.s32 $0x10, s8;
	v15 =	vadd.f32 $-5.000000000e-01, v13;
	v19 =	vmul.f32 $5.000000000e-01, v12;
	v8 =	vld [tilespmem:s9+$0x88B0];
	v14 =	vmul.f32 v10, v14  }
.Ltmp0:
0x34: {  	v20 =	vmul.f32 $5.000000000e-01, v18;
	vm3 =	vlt.f32 v13, $1.000000000e+00;
	v13 =	vand.u32 $0x7FFFFFFF, v12;
	v4 =	vld [tilespmem:s8+$0x0];
	(pc) =	sbr.rel @p0 .LBB2_1-.Ltmp0, $4  }
0x35: {  	v21 =	vadd.f32 $-5.000000000e-01, v13;
	v19 =	vmul.f32 v19, v12;
	v10 =	vld [tilespmem:s9+$0x20];
	v14 =	vsel vm3, v14, v15  }
0x36: {  	v15 =	vadd.f32 $-5.000000000e-01, v17;
	v12 =	vld [tilespmem:s9+$0x88A0];
	v14 =	vnsel vm2, $0x0, v14;
	vm2 =	vlt.f32 v13, $1.000000000e+00  }
0x37: {  	v18 =	vmul.f32 v20, v18;
	v13 =	vld [tilespmem:s9+$0x10];
	v16 =	vadd.f32 v14, v16;
	v19 =	vsel vm2, v19, v21  }
0x38: {  	s10 =	sadd.s32 $0x100, s10;
	v14 =	vld [tilespmem:s9+$0x0];
	v19 =	vnsel vm1, $0x0, v19;
	vm1 =	vlt.f32 v17, $1.000000000e+00;
	v17 =	vadd.f32 $-5.000000000e-01, v9  }
0x39: {  	v20 =	vld [tilespmem:s9+$0x8880]  }
0x3a: {  	v16 =	vadd.f32 v19, v16;
	v6 =	vmul.f32 v11, v6  }
0x3b: {  	v15 =	vsel vm1, v18, v15;
	v11 =	vld [tilespmem:s9+$0x8890];
	v3 =	vperm.xlane v4, v3;
	v2 =	vperm.xlane v4, v2  }
0x3c: {  	v1 =	vperm.xlane v4, v1;
	v15 =	vnsel vm0, $0x0, v15;
	vm0 =	vlt.f32 v9, $1.000000000e+00  }
0x3d: {  	v9 =	vadd.f32 v15, v16;
	v6 =	vsel vm0, v6, v17;
	vm0 =	vgt.s32 v5, $0x0  }
0x3e: {  	v5 =	vnsel vm0, $0x0, v6;
	v6 =	vsub.f32 v7, v8;
	v7 =	vsub.f32 v14, v20  }
0x3f: {  	vm1 =	vgt.s32 v3, $0x0;
	vm2 =	vgt.s32 v1, $0x0;
	vm0 =	vgt.s32 v2, $0x0  }
0x40: {  	v5 =	vadd.f32 v5, v9;
	v9 =	vsub.f32 v13, v11;
	v2 =	vmul.f32 $5.000000000e-01, v7  }
0x41: {  	v8 =	vsub.f32 v10, v12;
	v3 =	vand.u32 $0x7FFFFFFF, v6;
	v10 =	vand.u32 $0x7FFFFFFF, v7  }
0x42: {  	v11 =	vmul.f32 $5.000000000e-01, v9;
	v2 =	vmul.f32 v2, v7;
	v7 =	vadd.f32 $-5.000000000e-01, v10  }
0x43: {  	v1 =	vand.u32 $0x7FFFFFFF, v8;
	v13 =	vld [tilespmem:$0x8840];
	vm3 =	vlt.f32 v10, $1.000000000e+00;
	v10 =	vand.u32 $0x7FFFFFFF, v9  }
0x44: {  	v2 =	vsel vm3, v2, v7;
	v7 =	vmul.f32 v11, v9;
	v9 =	vadd.f32 $-5.000000000e-01, v10;
	v11 =	vld [tilespmem:$0x110C0]  }
0x45: {  	v12 =	vmul.f32 $5.000000000e-01, v8;
	v2 =	vnsel vm2, $0x0, v2;
	vm2 =	vlt.f32 v10, $1.000000000e+00  }
0x46: {  	v10 =	vadd.f32 $-5.000000000e-01, v1;
	v2 =	vadd.f32 v2, v5;
	v5 =	vsel vm2, v7, v9  }
0x47: {  	v7 =	vmul.f32 v12, v8;
	v8 =	vmul.f32 $5.000000000e-01, v6;
	v5 =	vnsel vm0, $0x0, v5  }
0x48: {  	v9 =	vadd.f32 $-5.000000000e-01, v3;
	vm0 =	vlt.f32 v1, $1.000000000e+00;
	v1 =	vld [tilespmem:$0x8850];
	v2 =	vadd.f32 v5, v2  }
0x49: {  	v5 =	vsel vm0, v7, v10;
	v7 =	vld [tilespmem:$0x110D0];
	v6 =	vmul.f32 v8, v6;
	v10 =	vsub.f32 v13, v11  }
0x4a: {  	v0 =	vperm.xlane v4, v0;
	v8 =	vld [tilespmem:$0x13310];
	vm0 =	vlt.f32 v3, $1.000000000e+00;
	v5 =	vnsel vm1, $0x0, v5  }
0x4b: {  	v2 =	vadd.f32 v5, v2;
	v3 =	vsel vm0, v6, v9;
	v6 =	vld [tilespmem:$0x8860];
	v5 =	vmul.f32 $5.000000000e-01, v10  }
0x4c: {  	v4 =	vlaneseq.u32;
	vm0 =	vgt.s32 v0, $0x0;
	v9 =	vld [tilespmem:$0x110E0]  }
0x4d: {  	v0 =	vshrl.u32 v4, $0x2;
	v4 =	vand.u32 $0x7FFFFFFF, v10;
	v5 =	vmul.f32 v5, v10  }
0x4e: {  	v10 =	vadd.f32 $-5.000000000e-01, v4;
	v7 =	vsub.f32 v1, v7;
	v1 =	vnsel vm0, $0x0, v3  }
0x4f: {  	v3 =	vperm.xlane v8, v0;
	vm0 =	vlt.f32 v4, $1.000000000e+00;
	v2 =	vadd.f32 v1, v2  }
0x50: {  	v1 =	vor.u32 $0x4, v0;
	v4 =	vsel vm0, v5, v10;
	v5 =	vmul.f32 $5.000000000e-01, v7  }
0x51: {  	vm0 =	vgt.s32 v3, $0x0;
	v3 =	vand.u32 $0x7FFFFFFF, v7;
	v6 =	vsub.f32 v6, v9  }
0x52: {  	v4 =	vnsel vm0, $0x0, v4;
	v5 =	vmul.f32 v5, v7;
	v7 =	vadd.f32 $-5.000000000e-01, v3  }
0x53: {  	v9 =	vperm.xlane v8, v1;
	vm0 =	vlt.f32 v3, $1.000000000e+00;
	v3 =	vadd.f32 v4, v2  }
0x54: {  	v2 =	vor.u32 $0x8, v0;
	v4 =	vsel vm0, v5, v7;
	v5 =	vmul.f32 $5.000000000e-01, v6  }
0x55: {  	v8 =	vperm.xlane v8, v2;
	v7 =	vand.u32 $0x7FFFFFFF, v6  }
0x56: {  	vm0 =	vgt.s32 v9, $0x0;
	v5 =	vmul.f32 v5, v6;
	v6 =	vadd.f32 $-5.000000000e-01, v7  }
0x57: {  	v4 =	vnsel vm0, $0x0, v4;
	vm0 =	vlt.f32 v7, $1.000000000e+00  }
0x58: {  	v3 =	vadd.f32 v4, v3;
	v4 =	vsel vm0, v5, v6;
	vm0 =	vgt.s32 v8, $0x0  }
0x59: {  	s8 =	sshll.u32 s7, $0xA;
	v4 =	vnsel vm0, $0x0, v4  }
0x5a: {  	s7 =	sor.u32 $0x2, s7;
	s8 =	sor.u32 s2, s8;
	v3 =	vadd.f32 v4, v3  }
0x5b: {  	s10 =	simm.s32 $0x0;
	s11 =	simm.s32 $0x13380;
	s8 =	sshrl.u32 s8, $0x3  }
0x5c: {  	s23 =	simm.s32 $0x1;
	s21 =	smul.u32 $0x44400, s7;
	s8 =	sadd.s32 s3, s8;
	[tilespmem:$0x13380] =	vst v3  }
0x5d: {  	[hbm4b:s8+s10] =	stream.linear.scatter [tilespmem:s11], [sflag:$0x1], $0x80, $0x38;
	[tilespmem:$0x13400] =	vst v63  }
0x5e: {  	s22 =	sor.u32 s2, s21;
	_ =	swait.ge [sflag:s23], $0x80  }
0x5f: {  	s24 =	simm.s32 $0x80;
	s8 =	sshrl.u32 s22, $0x3;
	[sflag:s23] =	ssyncset.done $0x0  }
0x60: {  	s12 =	simm.s32 $0x400;
	s4 =	sadd.s32 s4, s8;
	[sflag:s23] =	ssyncadd.s32 $0xFFFFFF80  }
0x61: {  	[tilespmem:s10], [sflag:$0x1] =	stream.strided.gather [hbm4b:s4+s24], $0x8880, s12, s24, $0x38;
	[tilespmem:$0x13400] =	vst v63  }
0x62: {  	_ =	swait.ge [sflag:s23], $0x8880  }
0x63: {  	s28 =	simm.s32 $0x8880;
	[sflag:s23] =	ssyncset.done $0x0  }
0x64: {  	s26 =	smul.u32 $0x11400, s7;
	s25 =	sadd.s32 s5, s8;
	[sflag:s23] =	ssyncadd.s32 $0xFFFF7780  }
0x65: {  	[tilespmem:s28], [sflag:$0x1] =	stream.strided.gather [hbm4b:s25+s24], $0x8880, s12, s24, $0x38;
	[tilespmem:$0x13400] =	vst v63  }
0x66: {  	s29 =	sor.u32 s2, s26;
	_ =	swait.ge [sflag:s23], $0x8880  }
0x67: {  	s4 =	sshrl.u32 s29, $0x3;
	[sflag:s23] =	ssyncset.done $0x0  }
0x68: {  	s30 =	simm.s32 $0x11100;
	s4 =	sadd.s32 s6, s4;
	[sflag:s23] =	ssyncadd.s32 $0xFFFF7780  }
0x69: {  	[tilespmem:s30], [sflag:$0x1] =	stream.strided.gather [hbm4b:s4+s24], $0x2280, s12, s24, $0x38;
	[tilespmem:$0x13400] =	vst v63  }
0x6a: {  	_ =	swait.ge [sflag:s23], $0x2280  }
0x6b: {  	[sflag:s23] =	ssyncset.done $0x0  }
0x6c: {  	s31 =	simm.s32 $0x0;
	[sflag:s23] =	ssyncadd.s32 $0xFFFFDD80  }
0x6d: {  	v4 =	vld [tilespmem:s31+$0x30]  }
0x6e: {  	v6 =	vld [tilespmem:s31+$0x88B0]  }
0x6f: {  	v7 =	vld [tilespmem:s30+$0x0]  }
0x70: {  	v8 =	vld [tilespmem:s31+$0x20]  }
0x71: {  	v9 =	vld [tilespmem:s31+$0x88A0]  }
0x72: {  	v10 =	vld [tilespmem:s31+$0x10]  }
0x73: {  	v11 =	vld [tilespmem:s31+$0x0]  }
0x74: {  	v12 =	vld [tilespmem:s31+$0x8880]  }
0x75: {  	v13 =	vld [tilespmem:s31+$0x8890];
	_ =	sdelay $0x1  }
0x76: {  	v14 =	vimm.f32 $0.0e+00;
	v3 =	vor.u32 $0xC, v0;
	v15 =	vperm.xlane v7, v2  }
0x77: {  	v5 =	vperm.xlane v7, v3;
	v16 =	vperm.xlane v7, v1;
	v6 =	vsub.f32 v4, v6  }
0x78: {  	v4 =	vperm.xlane v7, v0;
	v12 =	vsub.f32 v11, v12;
	v18 =	vsub.f32 v8, v9  }
0x79: {  	v13 =	vsub.f32 v10, v13;
	vm1 =	vgt.s32 v16, $0x0;
	vm0 =	vgt.s32 v15, $0x0  }
0x7a: {  	s5 =	simm.s32 $0x40;
	v10 =	vmul.f32 $5.000000000e-01, v12;
	v9 =	vand.u32 $0x7FFFFFFF, v6;
	v11 =	vmul.f32 $5.000000000e-01, v6  }
0x7b: {  	v7 =	vld [tilespmem:s5+$0x30];
	v15 =	vand.u32 $0x7FFFFFFF, v12;
	vm2 =	vgt.s32 v4, $0x0;
	v16 =	vand.u32 $0x7FFFFFFF, v18  }
0x7c: {  	s4 =	simm.s32 $0x11110;
	v8 =	vld [tilespmem:s5+$0x88B0];
	v19 =	vmul.f32 $5.000000000e-01, v13;
	v17 =	vadd.f32 $-5.000000000e-01, v15;
	v12 =	vmul.f32 v10, v12  }
0x7d: {  	v4 =	vld [tilespmem:s4+$0x0];
	v20 =	vmul.f32 $5.000000000e-01, v18;
	vm3 =	vlt.f32 v15, $1.000000000e+00;
	v15 =	vand.u32 $0x7FFFFFFF, v13  }
0x7e: {  	v10 =	vld [tilespmem:s5+$0x20];
	v19 =	vmul.f32 v19, v13;
	v21 =	vadd.f32 $-5.000000000e-01, v15;
	v17 =	vsel vm3, v12, v17  }
0x7f: {  	v13 =	vld [tilespmem:s5+$0x10];
	v18 =	vmul.f32 v20, v18;
	v17 =	vnsel vm2, $0x0, v17;
	vm2 =	vlt.f32 v15, $1.000000000e+00  }
0x80: {  	v12 =	vld [tilespmem:s5+$0x88A0];
	v15 =	vadd.f32 $-5.000000000e-01, v16;
	v17 =	vadd.f32 v17, v14;
	v19 =	vsel vm2, v19, v21  }
0x81: {  	s6 =	simm.s32 $0x200;
	v14 =	vld [tilespmem:s5+$0x0];
	v19 =	vnsel vm1, $0x0, v19;
	vm1 =	vlt.f32 v16, $1.000000000e+00;
	v16 =	vadd.f32 $-5.000000000e-01, v9  }
.LBB2_3:
0x82: {  	p0 =	sne.s32 s6, $0x22000;
	v20 =	vld [tilespmem:s5+$0x8880];
	v17 =	vadd.f32 v19, v17;
	v15 =	vsel vm1, v18, v15;
	v6 =	vmul.f32 v11, v6  }
0x83: {  	v11 =	vld [tilespmem:s5+$0x8890];
	v15 =	vnsel vm0, $0x0, v15;
	vm0 =	vlt.f32 v9, $1.000000000e+00  }
0x84: {  	v9 =	vadd.f32 v15, v17;
	v6 =	vsel vm0, v6, v16;
	vm0 =	vgt.s32 v5, $0x0  }
0x85: {  	v15 =	vperm.xlane v4, v2;
	v5 =	vperm.xlane v4, v3;
	v16 =	vnsel vm0, $0x0, v6  }
0x86: {  	v17 =	vperm.xlane v4, v1;
	v6 =	vsub.f32 v7, v8;
	v16 =	vadd.f32 v16, v9  }
0x87: {  	v4 =	vperm.xlane v4, v0;
	v18 =	vsub.f32 v10, v12;
	v14 =	vsub.f32 v14, v20  }
0x88: {  	vm1 =	vgt.s32 v17, $0x0;
	vm0 =	vgt.s32 v15, $0x0;
	v12 =	vsub.f32 v13, v11  }
0x89: {  	s5 =	sshra.s32 s6, $0x2;
	v9 =	vand.u32 $0x7FFFFFFF, v6;
	v11 =	vmul.f32 $5.000000000e-01, v6;
	v10 =	vmul.f32 $5.000000000e-01, v14  }
0x8a: {  	vm2 =	vgt.s32 v4, $0x0;
	v20 =	vand.u32 $0x7FFFFFFF, v18;
	v13 =	vand.u32 $0x7FFFFFFF, v14;
	v7 =	vld [tilespmem:s5+$0x30]  }
0x8b: {  	s4 =	sadd.s32 $0x10, s4;
	v15 =	vadd.f32 $-5.000000000e-01, v13;
	v17 =	vmul.f32 $5.000000000e-01, v12;
	v8 =	vld [tilespmem:s5+$0x88B0];
	v14 =	vmul.f32 v10, v14  }
.Ltmp1:
0x8c: {  	v19 =	vmul.f32 $5.000000000e-01, v18;
	vm3 =	vlt.f32 v13, $1.000000000e+00;
	v13 =	vand.u32 $0x7FFFFFFF, v12;
	v4 =	vld [tilespmem:s4+$0x0];
	(pc) =	sbr.rel @p0 .LBB2_3-.Ltmp1, $4  }
0x8d: {  	v22 =	vadd.f32 $-5.000000000e-01, v13;
	v21 =	vmul.f32 v17, v12;
	v10 =	vld [tilespmem:s5+$0x20];
	v14 =	vsel vm3, v14, v15  }
0x8e: {  	v15 =	vadd.f32 $-5.000000000e-01, v20;
	v12 =	vld [tilespmem:s5+$0x88A0];
	v14 =	vnsel vm2, $0x0, v14;
	vm2 =	vlt.f32 v13, $1.000000000e+00  }
0x8f: {  	v18 =	vmul.f32 v19, v18;
	v13 =	vld [tilespmem:s5+$0x10];
	v17 =	vadd.f32 v14, v16;
	v16 =	vsel vm2, v21, v22  }
0x90: {  	s6 =	sadd.s32 $0x100, s6;
	v14 =	vld [tilespmem:s5+$0x0];
	v19 =	vnsel vm1, $0x0, v16;
	vm1 =	vlt.f32 v20, $1.000000000e+00;
	v16 =	vadd.f32 $-5.000000000e-01, v9  }
0x91: {  	v17 =	vadd.f32 v19, v17;
	v15 =	vsel vm1, v18, v15;
	v6 =	vmul.f32 v11, v6  }
0x92: {  	v20 =	vld [tilespmem:s5+$0x8880];
	vm12 =	vlt.f32 v9, $1.000000000e+00;
	vm13 =	vgt.s32 v5, $0x0;
	v2 =	vperm.xlane v4, v2  }
0x93: {  	v21 =	vld [tilespmem:s5+$0x8890];
	v1 =	vperm.xlane v4, v1;
	v23 =	vsub.f32 v7, v8;
	v0 =	vperm.xlane v4, v0  }
0x94: {  	v33 =	vld [tilespmem:$0x8840];
	v3 =	vperm.xlane v4, v3;
	v47 =	vlaneseq.u32;
	v15 =	vnsel vm0, $0x0, v15  }
0x95: {  	v36 =	vld [tilespmem:$0x110C0];
	v50 =	vshrl.u32 v47, $0x2;
	v22 =	vadd.f32 v15, v17;
	v6 =	vsel vm12, v6, v16  }
0x96: {  	v41 =	vld [tilespmem:$0x8850];
	v25 =	vsub.f32 v10, v12;
	vm14 =	vgt.s32 v1, $0x0;
	vm15 =	vgt.s32 v2, $0x0  }
0x97: {  	v44 =	vld [tilespmem:$0x110D0];
	v28 =	vand.u32 $0x7FFFFFFF, v23;
	vm2 =	vgt.s32 v0, $0x0;
	v40 =	vmul.f32 $5.000000000e-01, v23  }
0x98: {  	v45 =	vld [tilespmem:$0x13310];
	vm9 =	vgt.s32 v3, $0x0;
	v57 =	vor.u32 $0x4, v50;
	v3 =	vor.u32 $0x8, v50  }
0x99: {  	v49 =	vld [tilespmem:$0x8860];
	v5 =	vnsel vm13, $0x0, v6;
	v42 =	vadd.f32 $-5.000000000e-01, v28;
	vm8 =	vlt.f32 v28, $1.000000000e+00  }
0x9a: {  	v52 =	vld [tilespmem:$0x110E0];
	v5 =	vadd.f32 v5, v22;
	v30 =	vand.u32 $0x7FFFFFFF, v25;
	v12 =	vmul.f32 $5.000000000e-01, v25  }
0x9b: {  	v6 =	vmul.f32 v40, v23;
	v24 =	vsub.f32 v14, v20;
	v26 =	vsub.f32 v13, v21  }
0x9c: {  	v37 =	vadd.f32 $-5.000000000e-01, v30;
	vm7 =	vlt.f32 v30, $1.000000000e+00;
	v46 =	vsub.f32 v33, v36  }
0x9d: {  	v0 =	vsub.f32 v41, v44;
	v54 =	vperm.xlane v45, v50;
	v3 =	vperm.xlane v45, v3  }
0x9e: {  	v39 =	vmul.f32 v12, v25;
	v2 =	vsel vm8, v6, v42;
	v27 =	vmul.f32 $5.000000000e-01, v24  }
0x9f: {  	v6 =	vsub.f32 v49, v52;
	v29 =	vand.u32 $0x7FFFFFFF, v24;
	v11 =	vmul.f32 $5.000000000e-01, v26  }
0xa0: {  	v32 =	vand.u32 $0x7FFFFFFF, v26;
	v31 =	vadd.f32 $-5.000000000e-01, v29;
	v1 =	vmul.f32 v27, v24  }
0xa1: {  	v48 =	vmul.f32 $5.000000000e-01, v46;
	v51 =	vand.u32 $0x7FFFFFFF, v46;
	vm3 =	vlt.f32 v29, $1.000000000e+00  }
0xa2: {  	v35 =	vadd.f32 $-5.000000000e-01, v32;
	v34 =	vmul.f32 v11, v26;
	v1 =	vsel vm3, v1, v31  }
0xa3: {  	v2 =	vnsel vm9, $0x0, v2;
	vm6 =	vlt.f32 v32, $1.000000000e+00;
	v1 =	vnsel vm2, $0x0, v1  }
0xa4: {  	v56 =	vmul.f32 $5.000000000e-01, v0;
	v38 =	vsel vm6, v34, v35;
	v1 =	vadd.f32 v1, v5  }
0xa5: {  	vm11 =	vgt.s32 v54, $0x0;
	v58 =	vand.u32 $0x7FFFFFFF, v0;
	v5 =	vnsel vm14, $0x0, v38  }
0xa6: {  	v43 =	vsel vm7, v39, v37;
	v53 =	vadd.f32 $-5.000000000e-01, v51;
	v1 =	vadd.f32 v5, v1  }
0xa7: {  	vm10 =	vlt.f32 v51, $1.000000000e+00;
	v59 =	vadd.f32 $-5.000000000e-01, v58;
	v5 =	vnsel vm15, $0x0, v43  }
0xa8: {  	vm12 =	vlt.f32 v58, $1.000000000e+00;
	v1 =	vadd.f32 v5, v1;
	v5 =	vmul.f32 v48, v46  }
0xa9: {  	v60 =	vmul.f32 $5.000000000e-01, v6;
	v61 =	vand.u32 $0x7FFFFFFF, v6;
	v0 =	vmul.f32 v56, v0  }
0xaa: {  	v1 =	vadd.f32 v2, v1;
	v55 =	vsel vm10, v5, v53;
	v5 =	vperm.xlane v45, v57  }
0xab: {  	v62 =	vadd.f32 $-5.000000000e-01, v61;
	v0 =	vsel vm12, v0, v59;
	v2 =	vnsel vm11, $0x0, v55  }
0xac: {  	v1 =	vadd.f32 v2, v1;
	vm13 =	vgt.s32 v5, $0x0;
	v2 =	vmul.f32 v60, v6  }
0xad: {  	vm14 =	vlt.f32 v61, $1.000000000e+00;
	v0 =	vnsel vm13, $0x0, v0  }
0xae: {  	vm15 =	vgt.s32 v3, $0x0;
	v0 =	vadd.f32 v0, v1;
	v63 =	vsel vm14, v2, v62  }
0xaf: {  	s4 =	sshll.u32 s7, $0xA;
	v1 =	vnsel vm15, $0x0, v63  }
0xb0: {  	s2 =	sor.u32 s2, s4;
	v0 =	vadd.f32 v1, v0  }
0xb1: {  	s29 =	simm.s32 $0x0;
	s2 =	sshrl.u32 s2, $0x3  }
0xb2: {  	s30 =	simm.s32 $0x13380;
	s31 =	simm.s32 $0x1;
	s2 =	sadd.s32 s3, s2;
	[tilespmem:$0x13380] =	vst v0  }
0xb3: {  	[hbm4b:s2+s29] =	stream.linear.scatter [tilespmem:s30], [sflag:$0x1], $0x80, $0x38;
	[tilespmem:$0x13400] =	vst v63  }
0xb4: {  	_ =	swait.ge [sflag:s31], $0x80  }
0xb5: {  	[sflag:s31] =	ssyncset.done $0x0  }
0xb6: {  	[sflag:s31] =	ssyncadd.s32 $0xFFFFFF80  }
0xb7: {  	_ =	sfence.sel $0x180000  }
0xb8: {  	[bflag:$0x0] =	sbarrier.arrive $0xFFFF  }
0xb9: {  	p0 =	sne.s32 s0, $0x0;
	_ =	strace $0x90000047  }
0xba: {  	s0 =	sadd.s32 @!p0 $0x100000, s1;
	[bflag:$0x2] =	sbarrier.arrive $0xFFFF  }
0xbb: {  	[sflag:s0] =	ssyncadd.tile.s32 @!p0 $0x1;
	_ =	shalt  }
.Lfunc_end2:
_tile_overlayer_lowered:
.L_overlay_start_2:
0xbc: {  	(tag) =	ssettag $0x2  }
0xbd: {  	s0 =	rddreg [dreg:$0x0];
	s2 =	stileid.u32  }
0xbe: {  	s1 =	rddreg [dreg:$0x1];
	p0 =	sne.s32 s2, $0x0  }
0xbf: {  	s3 =	rddreg [dreg:$0x2];
	[bflag:$0x3] =	sbarrier.arrive $0xFFFF;
	s2 =	simm.s32 @!p0 $0x1C01  }
0xc0: {  	[timem:s3], [sflag:s2] =	dma.local @!p0 [hbm:s0], s1  }
0xc1: {  	s0 =	simm.s32 @!p0 $0x1  }
0xc2: {  	_ =	swait.ge @!p0 [sflag:s0], s1  }
0xc3: {  	s1 =	ssub.s32 @!p0 $0x0, s1;
	[sflag:s0] =	ssyncset.done @!p0 $0x0  }
0xc4: {  	[sflag:s0] =	ssyncadd.s32 @!p0 s1  }
0xc5: {  	[bflag:$0x3] =	sbarrier.arrive $0xFFFF  }
0xc6: {  	_ =	shalt  }

</sc_bundles>
